<compile_context>
chip_gen: v7x
topology: tpu7x:2x2x1
jax: 0.10.2.dev20260603
libtpu: 0.0.44.dev20260713+nightly
codegen_flags: <defaults>
</compile_context>

<pallas_src>
import functools
import math

import jax
import jax.numpy as jnp
from jax import lax
from jax.experimental import pallas as pl
from jax.experimental.pallas import tpu as pltpu
from jax.experimental.pallas import tpu_sc as plsc

VOCAB = 1000000
D = 32
B = 4096
L = 50

NC = 2
NS = 16
NW = NC * NS
LANES = 16

CHUNK = B // NW
N_CHUNKS = L
NBUF = 5
N_GROUPS = N_CHUNKS // NBUF

SCALE = math.sqrt(D)


@functools.partial(
    pl.kernel,
    out_type=jax.ShapeDtypeStruct((L, B, D), jnp.float32),
    mesh=plsc.VectorSubcoreMesh(core_axis_name="c", subcore_axis_name="s"),
    scratch_types=[
        pltpu.VMEM((N_CHUNKS, CHUNK), jnp.int32),
        *[pltpu.VMEM((CHUNK, D), jnp.float32) for _ in range(NBUF)],
        *[pltpu.VMEM((CHUNK, D), jnp.float32) for _ in range(NBUF)],
        *[pltpu.SemaphoreType.DMA for _ in range(2 * NBUF)],
    ],
    compiler_params=pltpu.CompilerParams(use_tc_tiling_on_sc=False),
)
def _emb_lookup(xt_hbm, table_hbm, out_hbm, idx_v, *scratch):
    rows = scratch[:NBUF]
    stage = scratch[NBUF:2 * NBUF]
    gsem = scratch[2 * NBUF:3 * NBUF]
    ssem = scratch[3 * NBUF:]
    wid = lax.axis_index("s") * NC + lax.axis_index("c")
    pltpu.sync_copy(xt_hbm.at[:, pl.ds(wid * CHUNK, CHUNK)], idx_v)

    def out_at(c):
        return out_hbm.at[c, pl.ds(wid * CHUNK, CHUNK)]

    for b in range(NBUF):
        pltpu.async_copy(table_hbm.at[idx_v.at[b]], rows[b], gsem[b])

    @pl.loop(0, N_GROUPS)
    def _group(g):
        for b in range(NBUF):
            c = g * NBUF + b
            pltpu.make_async_copy(
                table_hbm.at[idx_v.at[c]], rows[b], gsem[b]).wait()

            @pl.when(g > 0)
            def _stage_free():
                pltpu.make_async_copy(stage[b], out_at(c), ssem[b]).wait()

            @pl.loop(0, CHUNK, unroll=8)
            def _row(r):
                for h in range(D // LANES):
                    sl = pl.ds(h * LANES, LANES)
                    stage[b][r, sl] = rows[b][r, sl] * SCALE

            @pl.when(g + 1 < N_GROUPS)
            def _prefetch():
                pltpu.async_copy(
                    table_hbm.at[idx_v.at[c + NBUF]], rows[b], gsem[b])

            pltpu.async_copy(stage[b], out_at(c), ssem[b])

    for b in range(NBUF):
        pltpu.make_async_copy(
            stage[b], out_hbm.at[0, pl.ds(wid * CHUNK, CHUNK)], ssem[b]).wait()


def kernel(x, table):
    out = _emb_lookup(x.T, table)
    return out.transpose(1, 0, 2)

# --- scband reference (transcript-rebuilt; emitter-appended) ---
"""Pipeline reference for scband-embedding-layer-81114752352388 (READ-ONLY COPY).

The authoritative reference and input builder live on the scoring server;
editing this copy changes nothing except your own understanding.
"""

import jax, jax.numpy as jnp
import numpy as np
import math

VOCAB = 1000000
M_DIM = 32
B = 4096
L = 50

def setup_inputs(seed: int = 0) -> dict:
    key = jax.random.key(seed)
    k1, k2 = jax.random.split(key)
    x = jax.random.randint(k1, (B, L), 0, VOCAB, dtype=jnp.int64 if jax.config.jax_enable_x64 else jnp.int32)
    table = jax.random.normal(k2, (VOCAB, M_DIM), dtype=jnp.float32)
    return {"x": x, "table": table}

def reference(x, table):
    # nn.Embedding lookup, scaled by sqrt(m_dim). Dropout is identity in eval mode.
    emb = jnp.take(table, x, axis=0)
    out = emb * math.sqrt(M_DIM)
    return out

if __name__ == "__main__":
    import jax
    _d = setup_inputs()
    print(jax.jit(kernel)(*tuple(_d.values())))

</pallas_src>

<mosaic_0001>
#map = affine_map<(d0, d1) -> (0, 0)>
#map1 = affine_map<(d0, d1) -> (0, 0, 0)>
module attributes {stable_mosaic.version = 14 : i64} {
  func.func @_emb_lookup(%arg0: i32, %arg1: i32, %arg2: memref<50x4096xi32, #tpu.memory_space<hbm>>, %arg3: memref<1000000x32xf32, #tpu.memory_space<hbm>>, %arg4: memref<50x4096x32xf32, #tpu.memory_space<hbm>>, %arg5: memref<50x128xi32, #tpu.memory_space<vmem>>, %arg6: memref<128x32xf32, #tpu.memory_space<vmem>>, %arg7: memref<128x32xf32, #tpu.memory_space<vmem>>, %arg8: memref<128x32xf32, #tpu.memory_space<vmem>>, %arg9: memref<128x32xf32, #tpu.memory_space<vmem>>, %arg10: memref<128x32xf32, #tpu.memory_space<vmem>>, %arg11: memref<128x32xf32, #tpu.memory_space<vmem>>, %arg12: memref<128x32xf32, #tpu.memory_space<vmem>>, %arg13: memref<128x32xf32, #tpu.memory_space<vmem>>, %arg14: memref<128x32xf32, #tpu.memory_space<vmem>>, %arg15: memref<128x32xf32, #tpu.memory_space<vmem>>, %arg16: memref<!tpu.dma_semaphore, #tpu.memory_space<semaphore_mem>>, %arg17: memref<!tpu.dma_semaphore, #tpu.memory_space<semaphore_mem>>, %arg18: memref<!tpu.dma_semaphore, #tpu.memory_space<semaphore_mem>>, %arg19: memref<!tpu.dma_semaphore, #tpu.memory_space<semaphore_mem>>, %arg20: memref<!tpu.dma_semaphore, #tpu.memory_space<semaphore_mem>>, %arg21: memref<!tpu.dma_semaphore, #tpu.memory_space<semaphore_mem>>, %arg22: memref<!tpu.dma_semaphore, #tpu.memory_space<semaphore_mem>>, %arg23: memref<!tpu.dma_semaphore, #tpu.memory_space<semaphore_mem>>, %arg24: memref<!tpu.dma_semaphore, #tpu.memory_space<semaphore_mem>>, %arg25: memref<!tpu.dma_semaphore, #tpu.memory_space<semaphore_mem>>) attributes {dimension_semantics = [#tpu.dimension_semantics<core_parallel>, #tpu.dimension_semantics<subcore_parallel>], iteration_bounds = array<i64: 2, 16>, scalar_prefetch = 0 : i64, scratch_operands = 21 : i64, tpu.core_type = #tpu.core_type<sc_vector_subcore>, window_params = [{transform_indices = #map}, {transform_indices = #map}, {transform_indices = #map1}]} {
    %mul3A = arith.constant 2 : i32
    %mul3A_0 = arith.muli %arg1, %mul3A : i32
    %add3A = arith.addi %mul3A_0, %arg0 : i32
    %mul3A_1 = arith.constant 128 : i32
    %mul3A_2 = arith.muli %add3A, %mul3A_1 : i32
    "tpu.region"() ({
      %run_scoped3A = tpu.sem_alloc : memref<!tpu.dma_semaphore, #tpu.memory_space<semaphore_mem>>
      %dma_start3A_85 = arith.constant 0 : i32
      %dma_start3A_86 = tpu.memref_slice %arg2[%dma_start3A_85, %mul3A_2] : memref<50x4096xi32, #tpu.memory_space<hbm>> -> memref<50x128xi32, #tpu.memory_space<hbm>>
      %dma_start3A_87 = arith.constant 0 : i32
      %dma_start3A_88 = tpu.memref_slice %arg2[%dma_start3A_87, %mul3A_2] : memref<50x4096xi32, #tpu.memory_space<hbm>> -> memref<50x128xi32, #tpu.memory_space<hbm>>
      tpu.enqueue_dma source(%dma_start3A_88 : memref<50x128xi32, #tpu.memory_space<hbm>>) target(%arg5 : memref<50x128xi32, #tpu.memory_space<vmem>>) target_semaphore(%run_scoped3A : memref<!tpu.dma_semaphore, #tpu.memory_space<semaphore_mem>>)
      %dma_wait3A_89 = arith.constant 0 : i32
      %dma_wait3A_90 = tpu.memref_slice %arg2[%dma_wait3A_89, %mul3A_2] : memref<50x4096xi32, #tpu.memory_space<hbm>> -> memref<50x128xi32, #tpu.memory_space<hbm>>
      %dma_wait3A_91 = arith.constant 0 : i32
      %dma_wait3A_92 = tpu.memref_slice %arg2[%dma_wait3A_91, %mul3A_2] : memref<50x4096xi32, #tpu.memory_space<hbm>> -> memref<50x128xi32, #tpu.memory_space<hbm>>
      tpu.wait_dma2 semaphore(%run_scoped3A : memref<!tpu.dma_semaphore, #tpu.memory_space<semaphore_mem>>) src(%dma_wait3A_92 : memref<50x128xi32, #tpu.memory_space<hbm>>) dst(%arg5 : memref<50x128xi32, #tpu.memory_space<vmem>>)
      tpu.yield
    }) : () -> ()
    %dma_start3A = arith.constant 0 : i32
    %dma_start3A_3 = arith.constant 0 : i32
    %dma_start3A_4 = tpu.memref_slice %arg5[%dma_start3A, %dma_start3A_3] : memref<50x128xi32, #tpu.memory_space<vmem>> -> memref<1x128xi32, #tpu.memory_space<vmem>>
    %dma_start3A_5 = tpu.memref_squeeze %dma_start3A_4 : memref<1x128xi32, #tpu.memory_space<vmem>> -> memref<128xi32, #tpu.memory_space<vmem>>
    %dma_start3A_6 = arith.constant 0 : i32
    %dma_start3A_7 = arith.constant 0 : i32
    %dma_start3A_8 = tpu.memref_slice %arg3[%dma_start3A_6, %dma_start3A_7] : memref<1000000x32xf32, #tpu.memory_space<hbm>> -> memref<1000000x32xf32, #tpu.memory_space<hbm>>
    tpu.enqueue_indirect_dma source(%dma_start3A_8 : memref<1000000x32xf32, #tpu.memory_space<hbm>>) target(%arg6 : memref<128x32xf32, #tpu.memory_space<vmem>>) offsets(%dma_start3A_5 : memref<128xi32, #tpu.memory_space<vmem>>) semaphore(%arg16 : memref<!tpu.dma_semaphore, #tpu.memory_space<semaphore_mem>>)
    %dma_start3A_9 = arith.constant 1 : i32
    %dma_start3A_10 = arith.constant 0 : i32
    %dma_start3A_11 = tpu.memref_slice %arg5[%dma_start3A_9, %dma_start3A_10] : memref<50x128xi32, #tpu.memory_space<vmem>> -> memref<1x128xi32, #tpu.memory_space<vmem>>
    %dma_start3A_12 = tpu.memref_squeeze %dma_start3A_11 : memref<1x128xi32, #tpu.memory_space<vmem>> -> memref<128xi32, #tpu.memory_space<vmem>>
    %dma_start3A_13 = arith.constant 0 : i32
    %dma_start3A_14 = arith.constant 0 : i32
    %dma_start3A_15 = tpu.memref_slice %arg3[%dma_start3A_13, %dma_start3A_14] : memref<1000000x32xf32, #tpu.memory_space<hbm>> -> memref<1000000x32xf32, #tpu.memory_space<hbm>>
    tpu.enqueue_indirect_dma source(%dma_start3A_15 : memref<1000000x32xf32, #tpu.memory_space<hbm>>) target(%arg7 : memref<128x32xf32, #tpu.memory_space<vmem>>) offsets(%dma_start3A_12 : memref<128xi32, #tpu.memory_space<vmem>>) semaphore(%arg17 : memref<!tpu.dma_semaphore, #tpu.memory_space<semaphore_mem>>)
    %dma_start3A_16 = arith.constant 2 : i32
    %dma_start3A_17 = arith.constant 0 : i32
    %dma_start3A_18 = tpu.memref_slice %arg5[%dma_start3A_16, %dma_start3A_17] : memref<50x128xi32, #tpu.memory_space<vmem>> -> memref<1x128xi32, #tpu.memory_space<vmem>>
    %dma_start3A_19 = tpu.memref_squeeze %dma_start3A_18 : memref<1x128xi32, #tpu.memory_space<vmem>> -> memref<128xi32, #tpu.memory_space<vmem>>
    %dma_start3A_20 = arith.constant 0 : i32
    %dma_start3A_21 = arith.constant 0 : i32
    %dma_start3A_22 = tpu.memref_slice %arg3[%dma_start3A_20, %dma_start3A_21] : memref<1000000x32xf32, #tpu.memory_space<hbm>> -> memref<1000000x32xf32, #tpu.memory_space<hbm>>
    tpu.enqueue_indirect_dma source(%dma_start3A_22 : memref<1000000x32xf32, #tpu.memory_space<hbm>>) target(%arg8 : memref<128x32xf32, #tpu.memory_space<vmem>>) offsets(%dma_start3A_19 : memref<128xi32, #tpu.memory_space<vmem>>) semaphore(%arg18 : memref<!tpu.dma_semaphore, #tpu.memory_space<semaphore_mem>>)
    %dma_start3A_23 = arith.constant 3 : i32
    %dma_start3A_24 = arith.constant 0 : i32
    %dma_start3A_25 = tpu.memref_slice %arg5[%dma_start3A_23, %dma_start3A_24] : memref<50x128xi32, #tpu.memory_space<vmem>> -> memref<1x128xi32, #tpu.memory_space<vmem>>
    %dma_start3A_26 = tpu.memref_squeeze %dma_start3A_25 : memref<1x128xi32, #tpu.memory_space<vmem>> -> memref<128xi32, #tpu.memory_space<vmem>>
    %dma_start3A_27 = arith.constant 0 : i32
    %dma_start3A_28 = arith.constant 0 : i32
    %dma_start3A_29 = tpu.memref_slice %arg3[%dma_start3A_27, %dma_start3A_28] : memref<1000000x32xf32, #tpu.memory_space<hbm>> -> memref<1000000x32xf32, #tpu.memory_space<hbm>>
    tpu.enqueue_indirect_dma source(%dma_start3A_29 : memref<1000000x32xf32, #tpu.memory_space<hbm>>) target(%arg9 : memref<128x32xf32, #tpu.memory_space<vmem>>) offsets(%dma_start3A_26 : memref<128xi32, #tpu.memory_space<vmem>>) semaphore(%arg19 : memref<!tpu.dma_semaphore, #tpu.memory_space<semaphore_mem>>)
    %dma_start3A_30 = arith.constant 4 : i32
    %dma_start3A_31 = arith.constant 0 : i32
    %dma_start3A_32 = tpu.memref_slice %arg5[%dma_start3A_30, %dma_start3A_31] : memref<50x128xi32, #tpu.memory_space<vmem>> -> memref<1x128xi32, #tpu.memory_space<vmem>>
    %dma_start3A_33 = tpu.memref_squeeze %dma_start3A_32 : memref<1x128xi32, #tpu.memory_space<vmem>> -> memref<128xi32, #tpu.memory_space<vmem>>
    %dma_start3A_34 = arith.constant 0 : i32
    %dma_start3A_35 = arith.constant 0 : i32
    %dma_start3A_36 = tpu.memref_slice %arg3[%dma_start3A_34, %dma_start3A_35] : memref<1000000x32xf32, #tpu.memory_space<hbm>> -> memref<1000000x32xf32, #tpu.memory_space<hbm>>
    tpu.enqueue_indirect_dma source(%dma_start3A_36 : memref<1000000x32xf32, #tpu.memory_space<hbm>>) target(%arg10 : memref<128x32xf32, #tpu.memory_space<vmem>>) offsets(%dma_start3A_33 : memref<128xi32, #tpu.memory_space<vmem>>) semaphore(%arg20 : memref<!tpu.dma_semaphore, #tpu.memory_space<semaphore_mem>>)
    %scan3A = arith.constant 0 : i32
    %scan3A_37 = arith.constant 10 : i32
    %scan3A_38 = arith.addi %scan3A, %scan3A_37 : i32
    %scan3A_39 = arith.constant 1 : i32
    scf.for %scan3A_85 = %scan3A to %scan3A_38 step %scan3A_39  : i32 {
      %mul3A_86 = arith.constant 1 : i32
      %mul3A_87 = arith.muli %scan3A_85, %mul3A_86 : i32
      %add3A_88 = arith.constant 0 : i32
      %add3A_89 = arith.addi %add3A_88, %mul3A_87 : i32
      %mul3A_90 = arith.constant 5 : i32
      %mul3A_91 = arith.muli %add3A_89, %mul3A_90 : i32
      %add3A_92 = arith.constant 0 : i32
      %add3A_93 = arith.addi %mul3A_91, %add3A_92 : i32
      %dma_wait3A_94 = arith.constant 0 : i32
      %dma_wait3A_95 = tpu.memref_slice %arg5[%add3A_93, %dma_wait3A_94] : memref<50x128xi32, #tpu.memory_space<vmem>> -> memref<1x128xi32, #tpu.memory_space<vmem>>
      %dma_wait3A_96 = tpu.memref_squeeze %dma_wait3A_95 : memref<1x128xi32, #tpu.memory_space<vmem>> -> memref<128xi32, #tpu.memory_space<vmem>>
      %dma_wait3A_97 = arith.constant 0 : i32
      %dma_wait3A_98 = arith.constant 0 : i32
      %dma_wait3A_99 = tpu.memref_slice %arg3[%dma_wait3A_97, %dma_wait3A_98] : memref<1000000x32xf32, #tpu.memory_space<hbm>> -> memref<1000000x32xf32, #tpu.memory_space<hbm>>
      tpu.wait_indirect_dma semaphore(%arg16 : memref<!tpu.dma_semaphore, #tpu.memory_space<semaphore_mem>>) src(%dma_wait3A_99 : memref<1000000x32xf32, #tpu.memory_space<hbm>>) dst(%arg6 : memref<128x32xf32, #tpu.memory_space<vmem>>)
      %gt3A = arith.constant 0 : i32
      %gt3A_100 = arith.cmpi sgt, %add3A_89, %gt3A : i32
      %convert_element_type3A = arith.extui %gt3A_100 : i1 to i32
      %cond3A = arith.constant 0 : i32
      %cond3A_101 = arith.cmpi ne, %convert_element_type3A, %cond3A : i32
      scf.if %cond3A_101 {
        %mul3A_261 = arith.constant 128 : i32
        %mul3A_262 = arith.muli %add3A, %mul3A_261 : i32
        %dma_wait3A_263 = arith.constant 0 : i32
        %dma_wait3A_264 = tpu.memref_slice %arg4[%add3A_93, %mul3A_262, %dma_wait3A_263] : memref<50x4096x32xf32, #tpu.memory_space<hbm>> -> memref<1x128x32xf32, #tpu.memory_space<hbm>>
        %dma_wait3A_265 = tpu.memref_squeeze %dma_wait3A_264 : memref<1x128x32xf32, #tpu.memory_space<hbm>> -> memref<128x32xf32, #tpu.memory_space<hbm>>
        %dma_wait3A_266 = arith.constant 0 : i32
        %dma_wait3A_267 = tpu.memref_slice %arg4[%add3A_93, %mul3A_262, %dma_wait3A_266] : memref<50x4096x32xf32, #tpu.memory_space<hbm>> -> memref<1x128x32xf32, #tpu.memory_space<hbm>>
        %dma_wait3A_268 = tpu.memref_squeeze %dma_wait3A_267 : memref<1x128x32xf32, #tpu.memory_space<hbm>> -> memref<128x32xf32, #tpu.memory_space<hbm>>
        tpu.wait_dma2 semaphore(%arg21 : memref<!tpu.dma_semaphore, #tpu.memory_space<semaphore_mem>>) src(%arg11 : memref<128x32xf32, #tpu.memory_space<vmem>>) dst(%dma_wait3A_268 : memref<128x32xf32, #tpu.memory_space<hbm>>)
      } else {
      }
      %scan3A_102 = arith.constant 0 : i32
      %scan3A_103 = arith.constant 128 : i32
      %scan3A_104 = arith.addi %scan3A_102, %scan3A_103 : i32
      %scan3A_105 = arith.constant 8 : i32
      scf.for %scan3A_261 = %scan3A_102 to %scan3A_104 step %scan3A_105  : i32 {
        %mul3A_262 = arith.constant 1 : i32
        %mul3A_263 = arith.muli %scan3A_261, %mul3A_262 : i32
        %add3A_264 = arith.constant 0 : i32
        %add3A_265 = arith.addi %add3A_264, %mul3A_263 : i32
        %get3A = arith.index_cast %add3A_265 : i32 to index
        %get3A_266 = arith.constant 0 : index
        %get3A_267 = tpu.vector_load %arg6[%get3A, %get3A_266] {strides = array<i32>} : memref<128x32xf32, #tpu.memory_space<vmem>>, vector<1x16xf32>,
        %get3A_268 = vector.shape_cast %get3A_267 : vector<1x16xf32> to vector<16xf32>
        %mul3A_269 = arith.constant 5.65685415 : f32
        %mul3A_270 = vector.broadcast %mul3A_269 : f32 to vector<16xf32>
        %mul3A_271 = arith.mulf %get3A_268, %mul3A_270 : vector<16xf32>
        %swap3A = arith.index_cast %add3A_265 : i32 to index
        %swap3A_272 = arith.constant 0 : index
        %swap3A_273 = tpu.vector_load %arg11[%swap3A, %swap3A_272] {strides = array<i32>} : memref<128x32xf32, #tpu.memory_space<vmem>>, vector<1x16xf32>,
        %swap3A_274 = vector.shape_cast %swap3A_273 : vector<1x16xf32> to vector<16xf32>
        %swap3A_275 = vector.shape_cast %mul3A_271 : vector<16xf32> to vector<1x16xf32>
        tpu.vector_store %arg11[%swap3A, %swap3A_272], %swap3A_275 {strides = array<i32>} : memref<128x32xf32, #tpu.memory_space<vmem>>, vector<1x16xf32>,
        %get3A_276 = arith.index_cast %add3A_265 : i32 to index
        %get3A_277 = arith.constant 16 : index
        %get3A_278 = tpu.vector_load %arg6[%get3A_276, %get3A_277] {strides = array<i32>} : memref<128x32xf32, #tpu.memory_space<vmem>>, vector<1x16xf32>,
        %get3A_279 = vector.shape_cast %get3A_278 : vector<1x16xf32> to vector<16xf32>
        %mul3A_280 = arith.constant 5.65685415 : f32
        %mul3A_281 = vector.broadcast %mul3A_280 : f32 to vector<16xf32>
        %mul3A_282 = arith.mulf %get3A_279, %mul3A_281 : vector<16xf32>
        %swap3A_283 = arith.index_cast %add3A_265 : i32 to index
        %swap3A_284 = arith.constant 16 : index
        %swap3A_285 = tpu.vector_load %arg11[%swap3A_283, %swap3A_284] {strides = array<i32>} : memref<128x32xf32, #tpu.memory_space<vmem>>, vector<1x16xf32>,
        %swap3A_286 = vector.shape_cast %swap3A_285 : vector<1x16xf32> to vector<16xf32>
        %swap3A_287 = vector.shape_cast %mul3A_282 : vector<16xf32> to vector<1x16xf32>
        tpu.vector_store %arg11[%swap3A_283, %swap3A_284], %swap3A_287 {strides = array<i32>} : memref<128x32xf32, #tpu.memory_space<vmem>>, vector<1x16xf32>,
        %scan3A_288 = arith.constant 1 : i32
        %scan3A_289 = arith.addi %scan3A_261, %scan3A_288 : i32
        %mul3A_290 = arith.constant 1 : i32
        %mul3A_291 = arith.muli %scan3A_289, %mul3A_290 : i32
        %add3A_292 = arith.constant 0 : i32
        %add3A_293 = arith.addi %add3A_292, %mul3A_291 : i32
        %get3A_294 = arith.index_cast %add3A_293 : i32 to index
        %get3A_295 = arith.constant 0 : index
        %get3A_296 = tpu.vector_load %arg6[%get3A_294, %get3A_295] {strides = array<i32>} : memref<128x32xf32, #tpu.memory_space<vmem>>, vector<1x16xf32>,
        %get3A_297 = vector.shape_cast %get3A_296 : vector<1x16xf32> to vector<16xf32>
        %mul3A_298 = arith.constant 5.65685415 : f32
        %mul3A_299 = vector.broadcast %mul3A_298 : f32 to vector<16xf32>
        %mul3A_300 = arith.mulf %get3A_297, %mul3A_299 : vector<16xf32>
        %swap3A_301 = arith.index_cast %add3A_293 : i32 to index
        %swap3A_302 = arith.constant 0 : index
        %swap3A_303 = tpu.vector_load %arg11[%swap3A_301, %swap3A_302] {strides = array<i32>} : memref<128x32xf32, #tpu.memory_space<vmem>>, vector<1x16xf32>,
        %swap3A_304 = vector.shape_cast %swap3A_303 : vector<1x16xf32> to vector<16xf32>
        %swap3A_305 = vector.shape_cast %mul3A_300 : vector<16xf32> to vector<1x16xf32>
        tpu.vector_store %arg11[%swap3A_301, %swap3A_302], %swap3A_305 {strides = array<i32>} : memref<128x32xf32, #tpu.memory_space<vmem>>, vector<1x16xf32>,
        %get3A_306 = arith.index_cast %add3A_293 : i32 to index
        %get3A_307 = arith.constant 16 : index
        %get3A_308 = tpu.vector_load %arg6[%get3A_306, %get3A_307] {strides = array<i32>} : memref<128x32xf32, #tpu.memory_space<vmem>>, vector<1x16xf32>,
        %get3A_309 = vector.shape_cast %get3A_308 : vector<1x16xf32> to vector<16xf32>
        %mul3A_310 = arith.constant 5.65685415 : f32
        %mul3A_311 = vector.broadcast %mul3A_310 : f32 to vector<16xf32>
        %mul3A_312 = arith.mulf %get3A_309, %mul3A_311 : vector<16xf32>
        %swap3A_313 = arith.index_cast %add3A_293 : i32 to index
        %swap3A_314 = arith.constant 16 : index
        %swap3A_315 = tpu.vector_load %arg11[%swap3A_313, %swap3A_314] {strides = array<i32>} : memref<128x32xf32, #tpu.memory_space<vmem>>, vector<1x16xf32>,
        %swap3A_316 = vector.shape_cast %swap3A_315 : vector<1x16xf32> to vector<16xf32>
        %swap3A_317 = vector.shape_cast %mul3A_312 : vector<16xf32> to vector<1x16xf32>
        tpu.vector_store %arg11[%swap3A_313, %swap3A_314], %swap3A_317 {strides = array<i32>} : memref<128x32xf32, #tpu.memory_space<vmem>>, vector<1x16xf32>,
        %scan3A_318 = arith.constant 2 : i32
        %scan3A_319 = arith.addi %scan3A_261, %scan3A_318 : i32
        %mul3A_320 = arith.constant 1 : i32
        %mul3A_321 = arith.muli %scan3A_319, %mul3A_320 : i32
        %add3A_322 = arith.constant 0 : i32
        %add3A_323 = arith.addi %add3A_322, %mul3A_321 : i32
        %get3A_324 = arith.index_cast %add3A_323 : i32 to index
        %get3A_325 = arith.constant 0 : index
        %get3A_326 = tpu.vector_load %arg6[%get3A_324, %get3A_325] {strides = array<i32>} : memref<128x32xf32, #tpu.memory_space<vmem>>, vector<1x16xf32>,
        %get3A_327 = vector.shape_cast %get3A_326 : vector<1x16xf32> to vector<16xf32>
        %mul3A_328 = arith.constant 5.65685415 : f32
        %mul3A_329 = vector.broadcast %mul3A_328 : f32 to vector<16xf32>
        %mul3A_330 = arith.mulf %get3A_327, %mul3A_329 : vector<16xf32>
        %swap3A_331 = arith.index_cast %add3A_323 : i32 to index
        %swap3A_332 = arith.constant 0 : index
        %swap3A_333 = tpu.vector_load %arg11[%swap3A_331, %swap3A_332] {strides = array<i32>} : memref<128x32xf32, #tpu.memory_space<vmem>>, vector<1x16xf32>,
        %swap3A_334 = vector.shape_cast %swap3A_333 : vector<1x16xf32> to vector<16xf32>
        %swap3A_335 = vector.shape_cast %mul3A_330 : vector<16xf32> to vector<1x16xf32>
        tpu.vector_store %arg11[%swap3A_331, %swap3A_332], %swap3A_335 {strides = array<i32>} : memref<128x32xf32, #tpu.memory_space<vmem>>, vector<1x16xf32>,
        %get3A_336 = arith.index_cast %add3A_323 : i32 to index
        %get3A_337 = arith.constant 16 : index
        %get3A_338 = tpu.vector_load %arg6[%get3A_336, %get3A_337] {strides = array<i32>} : memref<128x32xf32, #tpu.memory_space<vmem>>, vector<1x16xf32>,
        %get3A_339 = vector.shape_cast %get3A_338 : vector<1x16xf32> to vector<16xf32>
        %mul3A_340 = arith.constant 5.65685415 : f32
        %mul3A_341 = vector.broadcast %mul3A_340 : f32 to vector<16xf32>
        %mul3A_342 = arith.mulf %get3A_339, %mul3A_341 : vector<16xf32>
        %swap3A_343 = arith.index_cast %add3A_323 : i32 to index
        %swap3A_344 = arith.constant 16 : index
        %swap3A_345 = tpu.vector_load %arg11[%swap3A_343, %swap3A_344] {strides = array<i32>} : memref<128x32xf32, #tpu.memory_space<vmem>>, vector<1x16xf32>,
        %swap3A_346 = vector.shape_cast %swap3A_345 : vector<1x16xf32> to vector<16xf32>
        %swap3A_347 = vector.shape_cast %mul3A_342 : vector<16xf32> to vector<1x16xf32>
        tpu.vector_store %arg11[%swap3A_343, %swap3A_344], %swap3A_347 {strides = array<i32>} : memref<128x32xf32, #tpu.memory_space<vmem>>, vector<1x16xf32>,
        %scan3A_348 = arith.constant 3 : i32
        %scan3A_349 = arith.addi %scan3A_261, %scan3A_348 : i32
        %mul3A_350 = arith.constant 1 : i32
        %mul3A_351 = arith.muli %scan3A_349, %mul3A_350 : i32
        %add3A_352 = arith.constant 0 : i32
        %add3A_353 = arith.addi %add3A_352, %mul3A_351 : i32
        %get3A_354 = arith.index_cast %add3A_353 : i32 to index
        %get3A_355 = arith.constant 0 : index
        %get3A_356 = tpu.vector_load %arg6[%get3A_354, %get3A_355] {strides = array<i32>} : memref<128x32xf32, #tpu.memory_space<vmem>>, vector<1x16xf32>,
        %get3A_357 = vector.shape_cast %get3A_356 : vector<1x16xf32> to vector<16xf32>
        %mul3A_358 = arith.constant 5.65685415 : f32
        %mul3A_359 = vector.broadcast %mul3A_358 : f32 to vector<16xf32>
        %mul3A_360 = arith.mulf %get3A_357, %mul3A_359 : vector<16xf32>
        %swap3A_361 = arith.index_cast %add3A_353 : i32 to index
        %swap3A_362 = arith.constant 0 : index
        %swap3A_363 = tpu.vector_load %arg11[%swap3A_361, %swap3A_362] {strides = array<i32>} : memref<128x32xf32, #tpu.memory_space<vmem>>, vector<1x16xf32>,
        %swap3A_364 = vector.shape_cast %swap3A_363 : vector<1x16xf32> to vector<16xf32>
        %swap3A_365 = vector.shape_cast %mul3A_360 : vector<16xf32> to vector<1x16xf32>
        tpu.vector_store %arg11[%swap3A_361, %swap3A_362], %swap3A_365 {strides = array<i32>} : memref<128x32xf32, #tpu.memory_space<vmem>>, vector<1x16xf32>,
        %get3A_366 = arith.index_cast %add3A_353 : i32 to index
        %get3A_367 = arith.constant 16 : index
        %get3A_368 = tpu.vector_load %arg6[%get3A_366, %get3A_367] {strides = array<i32>} : memref<128x32xf32, #tpu.memory_space<vmem>>, vector<1x16xf32>,
        %get3A_369 = vector.shape_cast %get3A_368 : vector<1x16xf32> to vector<16xf32>
        %mul3A_370 = arith.constant 5.65685415 : f32
        %mul3A_371 = vector.broadcast %mul3A_370 : f32 to vector<16xf32>
        %mul3A_372 = arith.mulf %get3A_369, %mul3A_371 : vector<16xf32>
        %swap3A_373 = arith.index_cast %add3A_353 : i32 to index
        %swap3A_374 = arith.constant 16 : index
        %swap3A_375 = tpu.vector_load %arg11[%swap3A_373, %swap3A_374] {strides = array<i32>} : memref<128x32xf32, #tpu.memory_space<vmem>>, vector<1x16xf32>,
        %swap3A_376 = vector.shape_cast %swap3A_375 : vector<1x16xf32> to vector<16xf32>
        %swap3A_377 = vector.shape_cast %mul3A_372 : vector<16xf32> to vector<1x16xf32>
        tpu.vector_store %arg11[%swap3A_373, %swap3A_374], %swap3A_377 {strides = array<i32>} : memref<128x32xf32, #tpu.memory_space<vmem>>, vector<1x16xf32>,
        %scan3A_378 = arith.constant 4 : i32
        %scan3A_379 = arith.addi %scan3A_261, %scan3A_378 : i32
        %mul3A_380 = arith.constant 1 : i32
        %mul3A_381 = arith.muli %scan3A_379, %mul3A_380 : i32
        %add3A_382 = arith.constant 0 : i32
        %add3A_383 = arith.addi %add3A_382, %mul3A_381 : i32
        %get3A_384 = arith.index_cast %add3A_383 : i32 to index
        %get3A_385 = arith.constant 0 : index
        %get3A_386 = tpu.vector_load %arg6[%get3A_384, %get3A_385] {strides = array<i32>} : memref<128x32xf32, #tpu.memory_space<vmem>>, vector<1x16xf32>,
        %get3A_387 = vector.shape_cast %get3A_386 : vector<1x16xf32> to vector<16xf32>
        %mul3A_388 = arith.constant 5.65685415 : f32
        %mul3A_389 = vector.broadcast %mul3A_388 : f32 to vector<16xf32>
        %mul3A_390 = arith.mulf %get3A_387, %mul3A_389 : vector<16xf32>
        %swap3A_391 = arith.index_cast %add3A_383 : i32 to index
        %swap3A_392 = arith.constant 0 : index
        %swap3A_393 = tpu.vector_load %arg11[%swap3A_391, %swap3A_392] {strides = array<i32>} : memref<128x32xf32, #tpu.memory_space<vmem>>, vector<1x16xf32>,
        %swap3A_394 = vector.shape_cast %swap3A_393 : vector<1x16xf32> to vector<16xf32>
        %swap3A_395 = vector.shape_cast %mul3A_390 : vector<16xf32> to vector<1x16xf32>
        tpu.vector_store %arg11[%swap3A_391, %swap3A_392], %swap3A_395 {strides = array<i32>} : memref<128x32xf32, #tpu.memory_space<vmem>>, vector<1x16xf32>,
        %get3A_396 = arith.index_cast %add3A_383 : i32 to index
        %get3A_397 = arith.constant 16 : index
        %get3A_398 = tpu.vector_load %arg6[%get3A_396, %get3A_397] {strides = array<i32>} : memref<128x32xf32, #tpu.memory_space<vmem>>, vector<1x16xf32>,
        %get3A_399 = vector.shape_cast %get3A_398 : vector<1x16xf32> to vector<16xf32>
        %mul3A_400 = arith.constant 5.65685415 : f32
        %mul3A_401 = vector.broadcast %mul3A_400 : f32 to vector<16xf32>
        %mul3A_402 = arith.mulf %get3A_399, %mul3A_401 : vector<16xf32>
        %swap3A_403 = arith.index_cast %add3A_383 : i32 to index
        %swap3A_404 = arith.constant 16 : index
        %swap3A_405 = tpu.vector_load %arg11[%swap3A_403, %swap3A_404] {strides = array<i32>} : memref<128x32xf32, #tpu.memory_space<vmem>>, vector<1x16xf32>,
        %swap3A_406 = vector.shape_cast %swap3A_405 : vector<1x16xf32> to vector<16xf32>
        %swap3A_407 = vector.shape_cast %mul3A_402 : vector<16xf32> to vector<1x16xf32>
        tpu.vector_store %arg11[%swap3A_403, %swap3A_404], %swap3A_407 {strides = array<i32>} : memref<128x32xf32, #tpu.memory_space<vmem>>, vector<1x16xf32>,
        %scan3A_408 = arith.constant 5 : i32
        %scan3A_409 = arith.addi %scan3A_261, %scan3A_408 : i32
        %mul3A_410 = arith.constant 1 : i32
        %mul3A_411 = arith.muli %scan3A_409, %mul3A_410 : i32
        %add3A_412 = arith.constant 0 : i32
        %add3A_413 = arith.addi %add3A_412, %mul3A_411 : i32
        %get3A_414 = arith.index_cast %add3A_413 : i32 to index
        %get3A_415 = arith.constant 0 : index
        %get3A_416 = tpu.vector_load %arg6[%get3A_414, %get3A_415] {strides = array<i32>} : memref<128x32xf32, #tpu.memory_space<vmem>>, vector<1x16xf32>,
        %get3A_417 = vector.shape_cast %get3A_416 : vector<1x16xf32> to vector<16xf32>
        %mul3A_418 = arith.constant 5.65685415 : f32
        %mul3A_419 = vector.broadcast %mul3A_418 : f32 to vector<16xf32>
        %mul3A_420 = arith.mulf %get3A_417, %mul3A_419 : vector<16xf32>
        %swap3A_421 = arith.index_cast %add3A_413 : i32 to index
        %swap3A_422 = arith.constant 0 : index
        %swap3A_423 = tpu.vector_load %arg11[%swap3A_421, %swap3A_422] {strides = array<i32>} : memref<128x32xf32, #tpu.memory_space<vmem>>, vector<1x16xf32>,
        %swap3A_424 = vector.shape_cast %swap3A_423 : vector<1x16xf32> to vector<16xf32>
        %swap3A_425 = vector.shape_cast %mul3A_420 : vector<16xf32> to vector<1x16xf32>
        tpu.vector_store %arg11[%swap3A_421, %swap3A_422], %swap3A_425 {strides = array<i32>} : memref<128x32xf32, #tpu.memory_space<vmem>>, vector<1x16xf32>,
        %get3A_426 = arith.index_cast %add3A_413 : i32 to index
        %get3A_427 = arith.constant 16 : index
        %get3A_428 = tpu.vector_load %arg6[%get3A_426, %get3A_427] {strides = array<i32>} : memref<128x32xf32, #tpu.memory_space<vmem>>, vector<1x16xf32>,
        %get3A_429 = vector.shape_cast %get3A_428 : vector<1x16xf32> to vector<16xf32>
        %mul3A_430 = arith.constant 5.65685415 : f32
        %mul3A_431 = vector.broadcast %mul3A_430 : f32 to vector<16xf32>
        %mul3A_432 = arith.mulf %get3A_429, %mul3A_431 : vector<16xf32>
        %swap3A_433 = arith.index_cast %add3A_413 : i32 to index
        %swap3A_434 = arith.constant 16 : index
        %swap3A_435 = tpu.vector_load %arg11[%swap3A_433, %swap3A_434] {strides = array<i32>} : memref<128x32xf32, #tpu.memory_space<vmem>>, vector<1x16xf32>,
        %swap3A_436 = vector.shape_cast %swap3A_435 : vector<1x16xf32> to vector<16xf32>
        %swap3A_437 = vector.shape_cast %mul3A_432 : vector<16xf32> to vector<1x16xf32>
        tpu.vector_store %arg11[%swap3A_433, %swap3A_434], %swap3A_437 {strides = array<i32>} : memref<128x32xf32, #tpu.memory_space<vmem>>, vector<1x16xf32>,
        %scan3A_438 = arith.constant 6 : i32
        %scan3A_439 = arith.addi %scan3A_261, %scan3A_438 : i32
        %mul3A_440 = arith.constant 1 : i32
        %mul3A_441 = arith.muli %scan3A_439, %mul3A_440 : i32
        %add3A_442 = arith.constant 0 : i32
        %add3A_443 = arith.addi %add3A_442, %mul3A_441 : i32
        %get3A_444 = arith.index_cast %add3A_443 : i32 to index
        %get3A_445 = arith.constant 0 : index
        %get3A_446 = tpu.vector_load %arg6[%get3A_444, %get3A_445] {strides = array<i32>} : memref<128x32xf32, #tpu.memory_space<vmem>>, vector<1x16xf32>,
        %get3A_447 = vector.shape_cast %get3A_446 : vector<1x16xf32> to vector<16xf32>
        %mul3A_448 = arith.constant 5.65685415 : f32
        %mul3A_449 = vector.broadcast %mul3A_448 : f32 to vector<16xf32>
        %mul3A_450 = arith.mulf %get3A_447, %mul3A_449 : vector<16xf32>
        %swap3A_451 = arith.index_cast %add3A_443 : i32 to index
        %swap3A_452 = arith.constant 0 : index
        %swap3A_453 = tpu.vector_load %arg11[%swap3A_451, %swap3A_452] {strides = array<i32>} : memref<128x32xf32, #tpu.memory_space<vmem>>, vector<1x16xf32>,
        %swap3A_454 = vector.shape_cast %swap3A_453 : vector<1x16xf32> to vector<16xf32>
        %swap3A_455 = vector.shape_cast %mul3A_450 : vector<16xf32> to vector<1x16xf32>
        tpu.vector_store %arg11[%swap3A_451, %swap3A_452], %swap3A_455 {strides = array<i32>} : memref<128x32xf32, #tpu.memory_space<vmem>>, vector<1x16xf32>,
        %get3A_456 = arith.index_cast %add3A_443 : i32 to index
        %get3A_457 = arith.constant 16 : index
        %get3A_458 = tpu.vector_load %arg6[%get3A_456, %get3A_457] {strides = array<i32>} : memref<128x32xf32, #tpu.memory_space<vmem>>, vector<1x16xf32>,
        %get3A_459 = vector.shape_cast %get3A_458 : vector<1x16xf32> to vector<16xf32>
        %mul3A_460 = arith.constant 5.65685415 : f32
        %mul3A_461 = vector.broadcast %mul3A_460 : f32 to vector<16xf32>
        %mul3A_462 = arith.mulf %get3A_459, %mul3A_461 : vector<16xf32>
        %swap3A_463 = arith.index_cast %add3A_443 : i32 to index
        %swap3A_464 = arith.constant 16 : index
        %swap3A_465 = tpu.vector_load %arg11[%swap3A_463, %swap3A_464] {strides = array<i32>} : memref<128x32xf32, #tpu.memory_space<vmem>>, vector<1x16xf32>,
        %swap3A_466 = vector.shape_cast %swap3A_465 : vector<1x16xf32> to vector<16xf32>
        %swap3A_467 = vector.shape_cast %mul3A_462 : vector<16xf32> to vector<1x16xf32>
        tpu.vector_store %arg11[%swap3A_463, %swap3A_464], %swap3A_467 {strides = array<i32>} : memref<128x32xf32, #tpu.memory_space<vmem>>, vector<1x16xf32>,
        %scan3A_468 = arith.constant 7 : i32
        %scan3A_469 = arith.addi %scan3A_261, %scan3A_468 : i32
        %mul3A_470 = arith.constant 1 : i32
        %mul3A_471 = arith.muli %scan3A_469, %mul3A_470 : i32
        %add3A_472 = arith.constant 0 : i32
        %add3A_473 = arith.addi %add3A_472, %mul3A_471 : i32
        %get3A_474 = arith.index_cast %add3A_473 : i32 to index
        %get3A_475 = arith.constant 0 : index
        %get3A_476 = tpu.vector_load %arg6[%get3A_474, %get3A_475] {strides = array<i32>} : memref<128x32xf32, #tpu.memory_space<vmem>>, vector<1x16xf32>,
        %get3A_477 = vector.shape_cast %get3A_476 : vector<1x16xf32> to vector<16xf32>
        %mul3A_478 = arith.constant 5.65685415 : f32
        %mul3A_479 = vector.broadcast %mul3A_478 : f32 to vector<16xf32>
        %mul3A_480 = arith.mulf %get3A_477, %mul3A_479 : vector<16xf32>
        %swap3A_481 = arith.index_cast %add3A_473 : i32 to index
        %swap3A_482 = arith.constant 0 : index
        %swap3A_483 = tpu.vector_load %arg11[%swap3A_481, %swap3A_482] {strides = array<i32>} : memref<128x32xf32, #tpu.memory_space<vmem>>, vector<1x16xf32>,
        %swap3A_484 = vector.shape_cast %swap3A_483 : vector<1x16xf32> to vector<16xf32>
        %swap3A_485 = vector.shape_cast %mul3A_480 : vector<16xf32> to vector<1x16xf32>
        tpu.vector_store %arg11[%swap3A_481, %swap3A_482], %swap3A_485 {strides = array<i32>} : memref<128x32xf32, #tpu.memory_space<vmem>>, vector<1x16xf32>,
        %get3A_486 = arith.index_cast %add3A_473 : i32 to index
        %get3A_487 = arith.constant 16 : index
        %get3A_488 = tpu.vector_load %arg6[%get3A_486, %get3A_487] {strides = array<i32>} : memref<128x32xf32, #tpu.memory_space<vmem>>, vector<1x16xf32>,
        %get3A_489 = vector.shape_cast %get3A_488 : vector<1x16xf32> to vector<16xf32>
        %mul3A_490 = arith.constant 5.65685415 : f32
        %mul3A_491 = vector.broadcast %mul3A_490 : f32 to vector<16xf32>
        %mul3A_492 = arith.mulf %get3A_489, %mul3A_491 : vector<16xf32>
        %swap3A_493 = arith.index_cast %add3A_473 : i32 to index
        %swap3A_494 = arith.constant 16 : index
        %swap3A_495 = tpu.vector_load %arg11[%swap3A_493, %swap3A_494] {strides = array<i32>} : memref<128x32xf32, #tpu.memory_space<vmem>>, vector<1x16xf32>,
        %swap3A_496 = vector.shape_cast %swap3A_495 : vector<1x16xf32> to vector<16xf32>
        %swap3A_497 = vector.shape_cast %mul3A_492 : vector<16xf32> to vector<1x16xf32>
        tpu.vector_store %arg11[%swap3A_493, %swap3A_494], %swap3A_497 {strides = array<i32>} : memref<128x32xf32, #tpu.memory_space<vmem>>, vector<1x16xf32>,
      }
      %scan3A_106 = arith.constant 128 : i32
      %add3A_107 = arith.constant 1 : i32
      %add3A_108 = arith.addi %add3A_89, %add3A_107 : i32
      %lt3A = arith.constant 10 : i32
      %lt3A_109 = arith.cmpi slt, %add3A_108, %lt3A : i32
      %convert_element_type3A_110 = arith.extui %lt3A_109 : i1 to i32
      %cond3A_111 = arith.constant 0 : i32
      %cond3A_112 = arith.cmpi ne, %convert_element_type3A_110, %cond3A_111 : i32
      scf.if %cond3A_112 {
        %add3A_261 = arith.constant 5 : i32
        %add3A_262 = arith.addi %add3A_93, %add3A_261 : i32
        %dma_start3A_263 = arith.constant 0 : i32
        %dma_start3A_264 = tpu.memref_slice %arg5[%add3A_262, %dma_start3A_263] : memref<50x128xi32, #tpu.memory_space<vmem>> -> memref<1x128xi32, #tpu.memory_space<vmem>>
        %dma_start3A_265 = tpu.memref_squeeze %dma_start3A_264 : memref<1x128xi32, #tpu.memory_space<vmem>> -> memref<128xi32, #tpu.memory_space<vmem>>
        %dma_start3A_266 = arith.constant 0 : i32
        %dma_start3A_267 = arith.constant 0 : i32
        %dma_start3A_268 = tpu.memref_slice %arg3[%dma_start3A_266, %dma_start3A_267] : memref<1000000x32xf32, #tpu.memory_space<hbm>> -> memref<1000000x32xf32, #tpu.memory_space<hbm>>
        tpu.enqueue_indirect_dma source(%dma_start3A_268 : memref<1000000x32xf32, #tpu.memory_space<hbm>>) target(%arg6 : memref<128x32xf32, #tpu.memory_space<vmem>>) offsets(%dma_start3A_265 : memref<128xi32, #tpu.memory_space<vmem>>) semaphore(%arg16 : memref<!tpu.dma_semaphore, #tpu.memory_space<semaphore_mem>>)
      } else {
      }
      %mul3A_113 = arith.constant 128 : i32
      %mul3A_114 = arith.muli %add3A, %mul3A_113 : i32
      %dma_start3A_115 = arith.constant 0 : i32
      %dma_start3A_116 = tpu.memref_slice %arg4[%add3A_93, %mul3A_114, %dma_start3A_115] : memref<50x4096x32xf32, #tpu.memory_space<hbm>> -> memref<1x128x32xf32, #tpu.memory_space<hbm>>
      %dma_start3A_117 = tpu.memref_squeeze %dma_start3A_116 : memref<1x128x32xf32, #tpu.memory_space<hbm>> -> memref<128x32xf32, #tpu.memory_space<hbm>>
      %dma_start3A_118 = arith.constant 0 : i32
      %dma_start3A_119 = tpu.memref_slice %arg4[%add3A_93, %mul3A_114, %dma_start3A_118] : memref<50x4096x32xf32, #tpu.memory_space<hbm>> -> memref<1x128x32xf32, #tpu.memory_space<hbm>>
      %dma_start3A_120 = tpu.memref_squeeze %dma_start3A_119 : memref<1x128x32xf32, #tpu.memory_space<hbm>> -> memref<128x32xf32, #tpu.memory_space<hbm>>
      tpu.enqueue_dma source(%arg11 : memref<128x32xf32, #tpu.memory_space<vmem>>) target(%dma_start3A_120 : memref<128x32xf32, #tpu.memory_space<hbm>>) target_semaphore(%arg21 : memref<!tpu.dma_semaphore, #tpu.memory_space<semaphore_mem>>)
      %mul3A_121 = arith.constant 5 : i32
      %mul3A_122 = arith.muli %add3A_89, %mul3A_121 : i32
      %add3A_123 = arith.constant 1 : i32
      %add3A_124 = arith.addi %mul3A_122, %add3A_123 : i32
      %dma_wait3A_125 = arith.constant 0 : i32
      %dma_wait3A_126 = tpu.memref_slice %arg5[%add3A_124, %dma_wait3A_125] : memref<50x128xi32, #tpu.memory_space<vmem>> -> memref<1x128xi32, #tpu.memory_space<vmem>>
      %dma_wait3A_127 = tpu.memref_squeeze %dma_wait3A_126 : memref<1x128xi32, #tpu.memory_space<vmem>> -> memref<128xi32, #tpu.memory_space<vmem>>
      %dma_wait3A_128 = arith.constant 0 : i32
      %dma_wait3A_129 = arith.constant 0 : i32
      %dma_wait3A_130 = tpu.memref_slice %arg3[%dma_wait3A_128, %dma_wait3A_129] : memref<1000000x32xf32, #tpu.memory_space<hbm>> -> memref<1000000x32xf32, #tpu.memory_space<hbm>>
      tpu.wait_indirect_dma semaphore(%arg17 : memref<!tpu.dma_semaphore, #tpu.memory_space<semaphore_mem>>) src(%dma_wait3A_130 : memref<1000000x32xf32, #tpu.memory_space<hbm>>) dst(%arg7 : memref<128x32xf32, #tpu.memory_space<vmem>>)
      %gt3A_131 = arith.constant 0 : i32
      %gt3A_132 = arith.cmpi sgt, %add3A_89, %gt3A_131 : i32
      %convert_element_type3A_133 = arith.extui %gt3A_132 : i1 to i32
      %cond3A_134 = arith.constant 0 : i32
      %cond3A_135 = arith.cmpi ne, %convert_element_type3A_133, %cond3A_134 : i32
      scf.if %cond3A_135 {
        %mul3A_261 = arith.constant 128 : i32
        %mul3A_262 = arith.muli %add3A, %mul3A_261 : i32
        %dma_wait3A_263 = arith.constant 0 : i32
        %dma_wait3A_264 = tpu.memref_slice %arg4[%add3A_124, %mul3A_262, %dma_wait3A_263] : memref<50x4096x32xf32, #tpu.memory_space<hbm>> -> memref<1x128x32xf32, #tpu.memory_space<hbm>>
        %dma_wait3A_265 = tpu.memref_squeeze %dma_wait3A_264 : memref<1x128x32xf32, #tpu.memory_space<hbm>> -> memref<128x32xf32, #tpu.memory_space<hbm>>
        %dma_wait3A_266 = arith.constant 0 : i32
        %dma_wait3A_267 = tpu.memref_slice %arg4[%add3A_124, %mul3A_262, %dma_wait3A_266] : memref<50x4096x32xf32, #tpu.memory_space<hbm>> -> memref<1x128x32xf32, #tpu.memory_space<hbm>>
        %dma_wait3A_268 = tpu.memref_squeeze %dma_wait3A_267 : memref<1x128x32xf32, #tpu.memory_space<hbm>> -> memref<128x32xf32, #tpu.memory_space<hbm>>
        tpu.wait_dma2 semaphore(%arg22 : memref<!tpu.dma_semaphore, #tpu.memory_space<semaphore_mem>>) src(%arg12 : memref<128x32xf32, #tpu.memory_space<vmem>>) dst(%dma_wait3A_268 : memref<128x32xf32, #tpu.memory_space<hbm>>)
      } else {
      }
      %scan3A_136 = arith.constant 0 : i32
      %scan3A_137 = arith.constant 128 : i32
      %scan3A_138 = arith.addi %scan3A_136, %scan3A_137 : i32
      %scan3A_139 = arith.constant 8 : i32
      scf.for %scan3A_261 = %scan3A_136 to %scan3A_138 step %scan3A_139  : i32 {
        %mul3A_262 = arith.constant 1 : i32
        %mul3A_263 = arith.muli %scan3A_261, %mul3A_262 : i32
        %add3A_264 = arith.constant 0 : i32
        %add3A_265 = arith.addi %add3A_264, %mul3A_263 : i32
        %get3A = arith.index_cast %add3A_265 : i32 to index
        %get3A_266 = arith.constant 0 : index
        %get3A_267 = tpu.vector_load %arg7[%get3A, %get3A_266] {strides = array<i32>} : memref<128x32xf32, #tpu.memory_space<vmem>>, vector<1x16xf32>,
        %get3A_268 = vector.shape_cast %get3A_267 : vector<1x16xf32> to vector<16xf32>
        %mul3A_269 = arith.constant 5.65685415 : f32
        %mul3A_270 = vector.broadcast %mul3A_269 : f32 to vector<16xf32>
        %mul3A_271 = arith.mulf %get3A_268, %mul3A_270 : vector<16xf32>
        %swap3A = arith.index_cast %add3A_265 : i32 to index
        %swap3A_272 = arith.constant 0 : index
        %swap3A_273 = tpu.vector_load %arg12[%swap3A, %swap3A_272] {strides = array<i32>} : memref<128x32xf32, #tpu.memory_space<vmem>>, vector<1x16xf32>,
        %swap3A_274 = vector.shape_cast %swap3A_273 : vector<1x16xf32> to vector<16xf32>
        %swap3A_275 = vector.shape_cast %mul3A_271 : vector<16xf32> to vector<1x16xf32>
        tpu.vector_store %arg12[%swap3A, %swap3A_272], %swap3A_275 {strides = array<i32>} : memref<128x32xf32, #tpu.memory_space<vmem>>, vector<1x16xf32>,
        %get3A_276 = arith.index_cast %add3A_265 : i32 to index
        %get3A_277 = arith.constant 16 : index
        %get3A_278 = tpu.vector_load %arg7[%get3A_276, %get3A_277] {strides = array<i32>} : memref<128x32xf32, #tpu.memory_space<vmem>>, vector<1x16xf32>,
        %get3A_279 = vector.shape_cast %get3A_278 : vector<1x16xf32> to vector<16xf32>
        %mul3A_280 = arith.constant 5.65685415 : f32
        %mul3A_281 = vector.broadcast %mul3A_280 : f32 to vector<16xf32>
        %mul3A_282 = arith.mulf %get3A_279, %mul3A_281 : vector<16xf32>
        %swap3A_283 = arith.index_cast %add3A_265 : i32 to index
        %swap3A_284 = arith.constant 16 : index
        %swap3A_285 = tpu.vector_load %arg12[%swap3A_283, %swap3A_284] {strides = array<i32>} : memref<128x32xf32, #tpu.memory_space<vmem>>, vector<1x16xf32>,
        %swap3A_286 = vector.shape_cast %swap3A_285 : vector<1x16xf32> to vector<16xf32>
        %swap3A_287 = vector.shape_cast %mul3A_282 : vector<16xf32> to vector<1x16xf32>
        tpu.vector_store %arg12[%swap3A_283, %swap3A_284], %swap3A_287 {strides = array<i32>} : memref<128x32xf32, #tpu.memory_space<vmem>>, vector<1x16xf32>,
        %scan3A_288 = arith.constant 1 : i32
        %scan3A_289 = arith.addi %scan3A_261, %scan3A_288 : i32
        %mul3A_290 = arith.constant 1 : i32
        %mul3A_291 = arith.muli %scan3A_289, %mul3A_290 : i32
        %add3A_292 = arith.constant 0 : i32
        %add3A_293 = arith.addi %add3A_292, %mul3A_291 : i32
        %get3A_294 = arith.index_cast %add3A_293 : i32 to index
        %get3A_295 = arith.constant 0 : index
        %get3A_296 = tpu.vector_load %arg7[%get3A_294, %get3A_295] {strides = array<i32>} : memref<128x32xf32, #tpu.memory_space<vmem>>, vector<1x16xf32>,
        %get3A_297 = vector.shape_cast %get3A_296 : vector<1x16xf32> to vector<16xf32>
        %mul3A_298 = arith.constant 5.65685415 : f32
        %mul3A_299 = vector.broadcast %mul3A_298 : f32 to vector<16xf32>
        %mul3A_300 = arith.mulf %get3A_297, %mul3A_299 : vector<16xf32>
        %swap3A_301 = arith.index_cast %add3A_293 : i32 to index
        %swap3A_302 = arith.constant 0 : index
        %swap3A_303 = tpu.vector_load %arg12[%swap3A_301, %swap3A_302] {strides = array<i32>} : memref<128x32xf32, #tpu.memory_space<vmem>>, vector<1x16xf32>,
        %swap3A_304 = vector.shape_cast %swap3A_303 : vector<1x16xf32> to vector<16xf32>
        %swap3A_305 = vector.shape_cast %mul3A_300 : vector<16xf32> to vector<1x16xf32>
        tpu.vector_store %arg12[%swap3A_301, %swap3A_302], %swap3A_305 {strides = array<i32>} : memref<128x32xf32, #tpu.memory_space<vmem>>, vector<1x16xf32>,
        %get3A_306 = arith.index_cast %add3A_293 : i32 to index
        %get3A_307 = arith.constant 16 : index
        %get3A_308 = tpu.vector_load %arg7[%get3A_306, %get3A_307] {strides = array<i32>} : memref<128x32xf32, #tpu.memory_space<vmem>>, vector<1x16xf32>,
        %get3A_309 = vector.shape_cast %get3A_308 : vector<1x16xf32> to vector<16xf32>
        %mul3A_310 = arith.constant 5.65685415 : f32
        %mul3A_311 = vector.broadcast %mul3A_310 : f32 to vector<16xf32>
        %mul3A_312 = arith.mulf %get3A_309, %mul3A_311 : vector<16xf32>
        %swap3A_313 = arith.index_cast %add3A_293 : i32 to index
        %swap3A_314 = arith.constant 16 : index
        %swap3A_315 = tpu.vector_load %arg12[%swap3A_313, %swap3A_314] {strides = array<i32>} : memref<128x32xf32, #tpu.memory_space<vmem>>, vector<1x16xf32>,
        %swap3A_316 = vector.shape_cast %swap3A_315 : vector<1x16xf32> to vector<16xf32>
        %swap3A_317 = vector.shape_cast %mul3A_312 : vector<16xf32> to vector<1x16xf32>
        tpu.vector_store %arg12[%swap3A_313, %swap3A_314], %swap3A_317 {strides = array<i32>} : memref<128x32xf32, #tpu.memory_space<vmem>>, vector<1x16xf32>,
        %scan3A_318 = arith.constant 2 : i32
        %scan3A_319 = arith.addi %scan3A_261, %scan3A_318 : i32
        %mul3A_320 = arith.constant 1 : i32
        %mul3A_321 = arith.muli %scan3A_319, %mul3A_320 : i32
        %add3A_322 = arith.constant 0 : i32
        %add3A_323 = arith.addi %add3A_322, %mul3A_321 : i32
        %get3A_324 = arith.index_cast %add3A_323 : i32 to index
        %get3A_325 = arith.constant 0 : index
        %get3A_326 = tpu.vector_load %arg7[%get3A_324, %get3A_325] {strides = array<i32>} : memref<128x32xf32, #tpu.memory_space<vmem>>, vector<1x16xf32>,
        %get3A_327 = vector.shape_cast %get3A_326 : vector<1x16xf32> to vector<16xf32>
        %mul3A_328 = arith.constant 5.65685415 : f32
        %mul3A_329 = vector.broadcast %mul3A_328 : f32 to vector<16xf32>
        %mul3A_330 = arith.mulf %get3A_327, %mul3A_329 : vector<16xf32>
        %swap3A_331 = arith.index_cast %add3A_323 : i32 to index
        %swap3A_332 = arith.constant 0 : index
        %swap3A_333 = tpu.vector_load %arg12[%swap3A_331, %swap3A_332] {strides = array<i32>} : memref<128x32xf32, #tpu.memory_space<vmem>>, vector<1x16xf32>,
        %swap3A_334 = vector.shape_cast %swap3A_333 : vector<1x16xf32> to vector<16xf32>
        %swap3A_335 = vector.shape_cast %mul3A_330 : vector<16xf32> to vector<1x16xf32>
        tpu.vector_store %arg12[%swap3A_331, %swap3A_332], %swap3A_335 {strides = array<i32>} : memref<128x32xf32, #tpu.memory_space<vmem>>, vector<1x16xf32>,
        %get3A_336 = arith.index_cast %add3A_323 : i32 to index
        %get3A_337 = arith.constant 16 : index
        %get3A_338 = tpu.vector_load %arg7[%get3A_336, %get3A_337] {strides = array<i32>} : memref<128x32xf32, #tpu.memory_space<vmem>>, vector<1x16xf32>,
        %get3A_339 = vector.shape_cast %get3A_338 : vector<1x16xf32> to vector<16xf32>
        %mul3A_340 = arith.constant 5.65685415 : f32
        %mul3A_341 = vector.broadcast %mul3A_340 : f32 to vector<16xf32>
        %mul3A_342 = arith.mulf %get3A_339, %mul3A_341 : vector<16xf32>
        %swap3A_343 = arith.index_cast %add3A_323 : i32 to index
        %swap3A_344 = arith.constant 16 : index
        %swap3A_345 = tpu.vector_load %arg12[%swap3A_343, %swap3A_344] {strides = array<i32>} : memref<128x32xf32, #tpu.memory_space<vmem>>, vector<1x16xf32>,
        %swap3A_346 = vector.shape_cast %swap3A_345 : vector<1x16xf32> to vector<16xf32>
        %swap3A_347 = vector.shape_cast %mul3A_342 : vector<16xf32> to vector<1x16xf32>
        tpu.vector_store %arg12[%swap3A_343, %swap3A_344], %swap3A_347 {strides = array<i32>} : memref<128x32xf32, #tpu.memory_space<vmem>>, vector<1x16xf32>,
        %scan3A_348 = arith.constant 3 : i32
        %scan3A_349 = arith.addi %scan3A_261, %scan3A_348 : i32
        %mul3A_350 = arith.constant 1 : i32
        %mul3A_351 = arith.muli %scan3A_349, %mul3A_350 : i32
        %add3A_352 = arith.constant 0 : i32
        %add3A_353 = arith.addi %add3A_352, %mul3A_351 : i32
        %get3A_354 = arith.index_cast %add3A_353 : i32 to index
        %get3A_355 = arith.constant 0 : index
        %get3A_356 = tpu.vector_load %arg7[%get3A_354, %get3A_355] {strides = array<i32>} : memref<128x32xf32, #tpu.memory_space<vmem>>, vector<1x16xf32>,
        %get3A_357 = vector.shape_cast %get3A_356 : vector<1x16xf32> to vector<16xf32>
        %mul3A_358 = arith.constant 5.65685415 : f32
        %mul3A_359 = vector.broadcast %mul3A_358 : f32 to vector<16xf32>
        %mul3A_360 = arith.mulf %get3A_357, %mul3A_359 : vector<16xf32>
        %swap3A_361 = arith.index_cast %add3A_353 : i32 to index
        %swap3A_362 = arith.constant 0 : index
        %swap3A_363 = tpu.vector_load %arg12[%swap3A_361, %swap3A_362] {strides = array<i32>} : memref<128x32xf32, #tpu.memory_space<vmem>>, vector<1x16xf32>,
        %swap3A_364 = vector.shape_cast %swap3A_363 : vector<1x16xf32> to vector<16xf32>
        %swap3A_365 = vector.shape_cast %mul3A_360 : vector<16xf32> to vector<1x16xf32>
        tpu.vector_store %arg12[%swap3A_361, %swap3A_362], %swap3A_365 {strides = array<i32>} : memref<128x32xf32, #tpu.memory_space<vmem>>, vector<1x16xf32>,
        %get3A_366 = arith.index_cast %add3A_353 : i32 to index
        %get3A_367 = arith.constant 16 : index
        %get3A_368 = tpu.vector_load %arg7[%get3A_366, %get3A_367] {strides = array<i32>} : memref<128x32xf32, #tpu.memory_space<vmem>>, vector<1x16xf32>,
        %get3A_369 = vector.shape_cast %get3A_368 : vector<1x16xf32> to vector<16xf32>
        %mul3A_370 = arith.constant 5.65685415 : f32
        %mul3A_371 = vector.broadcast %mul3A_370 : f32 to vector<16xf32>
        %mul3A_372 = arith.mulf %get3A_369, %mul3A_371 : vector<16xf32>
        %swap3A_373 = arith.index_cast %add3A_353 : i32 to index
        %swap3A_374 = arith.constant 16 : index
        %swap3A_375 = tpu.vector_load %arg12[%swap3A_373, %swap3A_374] {strides = array<i32>} : memref<128x32xf32, #tpu.memory_space<vmem>>, vector<1x16xf32>,
        %swap3A_376 = vector.shape_cast %swap3A_375 : vector<1x16xf32> to vector<16xf32>
        %swap3A_377 = vector.shape_cast %mul3A_372 : vector<16xf32> to vector<1x16xf32>
        tpu.vector_store %arg12[%swap3A_373, %swap3A_374], %swap3A_377 {strides = array<i32>} : memref<128x32xf32, #tpu.memory_space<vmem>>, vector<1x16xf32>,
        %scan3A_378 = arith.constant 4 : i32
        %scan3A_379 = arith.addi %scan3A_261, %scan3A_378 : i32
        %mul3A_380 = arith.constant 1 : i32
        %mul3A_381 = arith.muli %scan3A_379, %mul3A_380 : i32
        %add3A_382 = arith.constant 0 : i32
        %add3A_383 = arith.addi %add3A_382, %mul3A_381 : i32
        %get3A_384 = arith.index_cast %add3A_383 : i32 to index
        %get3A_385 = arith.constant 0 : index
        %get3A_386 = tpu.vector_load %arg7[%get3A_384, %get3A_385] {strides = array<i32>} : memref<128x32xf32, #tpu.memory_space<vmem>>, vector<1x16xf32>,
        %get3A_387 = vector.shape_cast %get3A_386 : vector<1x16xf32> to vector<16xf32>
        %mul3A_388 = arith.constant 5.65685415 : f32
        %mul3A_389 = vector.broadcast %mul3A_388 : f32 to vector<16xf32>
        %mul3A_390 = arith.mulf %get3A_387, %mul3A_389 : vector<16xf32>
        %swap3A_391 = arith.index_cast %add3A_383 : i32 to index
        %swap3A_392 = arith.constant 0 : index
        %swap3A_393 = tpu.vector_load %arg12[%swap3A_391, %swap3A_392] {strides = array<i32>} : memref<128x32xf32, #tpu.memory_space<vmem>>, vector<1x16xf32>,
        %swap3A_394 = vector.shape_cast %swap3A_393 : vector<1x16xf32> to vector<16xf32>
        %swap3A_395 = vector.shape_cast %mul3A_390 : vector<16xf32> to vector<1x16xf32>
        tpu.vector_store %arg12[%swap3A_391, %swap3A_392], %swap3A_395 {strides = array<i32>} : memref<128x32xf32, #tpu.memory_space<vmem>>, vector<1x16xf32>,
        %get3A_396 = arith.index_cast %add3A_383 : i32 to index
        %get3A_397 = arith.constant 16 : index
        %get3A_398 = tpu.vector_load %arg7[%get3A_396, %get3A_397] {strides = array<i32>} : memref<128x32xf32, #tpu.memory_space<vmem>>, vector<1x16xf32>,
        %get3A_399 = vector.shape_cast %get3A_398 : vector<1x16xf32> to vector<16xf32>
        %mul3A_400 = arith.constant 5.65685415 : f32
        %mul3A_401 = vector.broadcast %mul3A_400 : f32 to vector<16xf32>
        %mul3A_402 = arith.mulf %get3A_399, %mul3A_401 : vector<16xf32>
        %swap3A_403 = arith.index_cast %add3A_383 : i32 to index
        %swap3A_404 = arith.constant 16 : index
        %swap3A_405 = tpu.vector_load %arg12[%swap3A_403, %swap3A_404] {strides = array<i32>} : memref<128x32xf32, #tpu.memory_space<vmem>>, vector<1x16xf32>,
        %swap3A_406 = vector.shape_cast %swap3A_405 : vector<1x16xf32> to vector<16xf32>
        %swap3A_407 = vector.shape_cast %mul3A_402 : vector<16xf32> to vector<1x16xf32>
        tpu.vector_store %arg12[%swap3A_403, %swap3A_404], %swap3A_407 {strides = array<i32>} : memref<128x32xf32, #tpu.memory_space<vmem>>, vector<1x16xf32>,
        %scan3A_408 = arith.constant 5 : i32
        %scan3A_409 = arith.addi %scan3A_261, %scan3A_408 : i32
        %mul3A_410 = arith.constant 1 : i32
        %mul3A_411 = arith.muli %scan3A_409, %mul3A_410 : i32
        %add3A_412 = arith.constant 0 : i32
        %add3A_413 = arith.addi %add3A_412, %mul3A_411 : i32
        %get3A_414 = arith.index_cast %add3A_413 : i32 to index
        %get3A_415 = arith.constant 0 : index
        %get3A_416 = tpu.vector_load %arg7[%get3A_414, %get3A_415] {strides = array<i32>} : memref<128x32xf32, #tpu.memory_space<vmem>>, vector<1x16xf32>,
        %get3A_417 = vector.shape_cast %get3A_416 : vector<1x16xf32> to vector<16xf32>
        %mul3A_418 = arith.constant 5.65685415 : f32
        %mul3A_419 = vector.broadcast %mul3A_418 : f32 to vector<16xf32>
        %mul3A_420 = arith.mulf %get3A_417, %mul3A_419 : vector<16xf32>
        %swap3A_421 = arith.index_cast %add3A_413 : i32 to index
        %swap3A_422 = arith.constant 0 : index
        %swap3A_423 = tpu.vector_load %arg12[%swap3A_421, %swap3A_422] {strides = array<i32>} : memref<128x32xf32, #tpu.memory_space<vmem>>, vector<1x16xf32>,
        %swap3A_424 = vector.shape_cast %swap3A_423 : vector<1x16xf32> to vector<16xf32>
        %swap3A_425 = vector.shape_cast %mul3A_420 : vector<16xf32> to vector<1x16xf32>
        tpu.vector_store %arg12[%swap3A_421, %swap3A_422], %swap3A_425 {strides = array<i32>} : memref<128x32xf32, #tpu.memory_space<vmem>>, vector<1x16xf32>,
        %get3A_426 = arith.index_cast %add3A_413 : i32 to index
        %get3A_427 = arith.constant 16 : index
        %get3A_428 = tpu.vector_load %arg7[%get3A_426, %get3A_427] {strides = array<i32>} : memref<128x32xf32, #tpu.memory_space<vmem>>, vector<1x16xf32>,
        %get3A_429 = vector.shape_cast %get3A_428 : vector<1x16xf32> to vector<16xf32>
        %mul3A_430 = arith.constant 5.65685415 : f32
        %mul3A_431 = vector.broadcast %mul3A_430 : f32 to vector<16xf32>
        %mul3A_432 = arith.mulf %get3A_429, %mul3A_431 : vector<16xf32>
        %swap3A_433 = arith.index_cast %add3A_413 : i32 to index
        %swap3A_434 = arith.constant 16 : index
        %swap3A_435 = tpu.vector_load %arg12[%swap3A_433, %swap3A_434] {strides = array<i32>} : memref<128x32xf32, #tpu.memory_space<vmem>>, vector<1x16xf32>,
        %swap3A_436 = vector.shape_cast %swap3A_435 : vector<1x16xf32> to vector<16xf32>
        %swap3A_437 = vector.shape_cast %mul3A_432 : vector<16xf32> to vector<1x16xf32>
        tpu.vector_store %arg12[%swap3A_433, %swap3A_434], %swap3A_437 {strides = array<i32>} : memref<128x32xf32, #tpu.memory_space<vmem>>, vector<1x16xf32>,
        %scan3A_438 = arith.constant 6 : i32
        %scan3A_439 = arith.addi %scan3A_261, %scan3A_438 : i32
        %mul3A_440 = arith.constant 1 : i32
        %mul3A_441 = arith.muli %scan3A_439, %mul3A_440 : i32
        %add3A_442 = arith.constant 0 : i32
        %add3A_443 = arith.addi %add3A_442, %mul3A_441 : i32
        %get3A_444 = arith.index_cast %add3A_443 : i32 to index
        %get3A_445 = arith.constant 0 : index
        %get3A_446 = tpu.vector_load %arg7[%get3A_444, %get3A_445] {strides = array<i32>} : memref<128x32xf32, #tpu.memory_space<vmem>>, vector<1x16xf32>,
        %get3A_447 = vector.shape_cast %get3A_446 : vector<1x16xf32> to vector<16xf32>
        %mul3A_448 = arith.constant 5.65685415 : f32
        %mul3A_449 = vector.broadcast %mul3A_448 : f32 to vector<16xf32>
        %mul3A_450 = arith.mulf %get3A_447, %mul3A_449 : vector<16xf32>
        %swap3A_451 = arith.index_cast %add3A_443 : i32 to index
        %swap3A_452 = arith.constant 0 : index
        %swap3A_453 = tpu.vector_load %arg12[%swap3A_451, %swap3A_452] {strides = array<i32>} : memref<128x32xf32, #tpu.memory_space<vmem>>, vector<1x16xf32>,
        %swap3A_454 = vector.shape_cast %swap3A_453 : vector<1x16xf32> to vector<16xf32>
        %swap3A_455 = vector.shape_cast %mul3A_450 : vector<16xf32> to vector<1x16xf32>
        tpu.vector_store %arg12[%swap3A_451, %swap3A_452], %swap3A_455 {strides = array<i32>} : memref<128x32xf32, #tpu.memory_space<vmem>>, vector<1x16xf32>,
        %get3A_456 = arith.index_cast %add3A_443 : i32 to index
        %get3A_457 = arith.constant 16 : index
        %get3A_458 = tpu.vector_load %arg7[%get3A_456, %get3A_457] {strides = array<i32>} : memref<128x32xf32, #tpu.memory_space<vmem>>, vector<1x16xf32>,
        %get3A_459 = vector.shape_cast %get3A_458 : vector<1x16xf32> to vector<16xf32>
        %mul3A_460 = arith.constant 5.65685415 : f32
        %mul3A_461 = vector.broadcast %mul3A_460 : f32 to vector<16xf32>
        %mul3A_462 = arith.mulf %get3A_459, %mul3A_461 : vector<16xf32>
        %swap3A_463 = arith.index_cast %add3A_443 : i32 to index
        %swap3A_464 = arith.constant 16 : index
        %swap3A_465 = tpu.vector_load %arg12[%swap3A_463, %swap3A_464] {strides = array<i32>} : memref<128x32xf32, #tpu.memory_space<vmem>>, vector<1x16xf32>,
        %swap3A_466 = vector.shape_cast %swap3A_465 : vector<1x16xf32> to vector<16xf32>
        %swap3A_467 = vector.shape_cast %mul3A_462 : vector<16xf32> to vector<1x16xf32>
        tpu.vector_store %arg12[%swap3A_463, %swap3A_464], %swap3A_467 {strides = array<i32>} : memref<128x32xf32, #tpu.memory_space<vmem>>, vector<1x16xf32>,
        %scan3A_468 = arith.constant 7 : i32
        %scan3A_469 = arith.addi %scan3A_261, %scan3A_468 : i32
        %mul3A_470 = arith.constant 1 : i32
        %mul3A_471 = arith.muli %scan3A_469, %mul3A_470 : i32
        %add3A_472 = arith.constant 0 : i32
        %add3A_473 = arith.addi %add3A_472, %mul3A_471 : i32
        %get3A_474 = arith.index_cast %add3A_473 : i32 to index
        %get3A_475 = arith.constant 0 : index
        %get3A_476 = tpu.vector_load %arg7[%get3A_474, %get3A_475] {strides = array<i32>} : memref<128x32xf32, #tpu.memory_space<vmem>>, vector<1x16xf32>,
        %get3A_477 = vector.shape_cast %get3A_476 : vector<1x16xf32> to vector<16xf32>
        %mul3A_478 = arith.constant 5.65685415 : f32
        %mul3A_479 = vector.broadcast %mul3A_478 : f32 to vector<16xf32>
        %mul3A_480 = arith.mulf %get3A_477, %mul3A_479 : vector<16xf32>
        %swap3A_481 = arith.index_cast %add3A_473 : i32 to index
        %swap3A_482 = arith.constant 0 : index
        %swap3A_483 = tpu.vector_load %arg12[%swap3A_481, %swap3A_482] {strides = array<i32>} : memref<128x32xf32, #tpu.memory_space<vmem>>, vector<1x16xf32>,
        %swap3A_484 = vector.shape_cast %swap3A_483 : vector<1x16xf32> to vector<16xf32>
        %swap3A_485 = vector.shape_cast %mul3A_480 : vector<16xf32> to vector<1x16xf32>
        tpu.vector_store %arg12[%swap3A_481, %swap3A_482], %swap3A_485 {strides = array<i32>} : memref<128x32xf32, #tpu.memory_space<vmem>>, vector<1x16xf32>,
        %get3A_486 = arith.index_cast %add3A_473 : i32 to index
        %get3A_487 = arith.constant 16 : index
        %get3A_488 = tpu.vector_load %arg7[%get3A_486, %get3A_487] {strides = array<i32>} : memref<128x32xf32, #tpu.memory_space<vmem>>, vector<1x16xf32>,
        %get3A_489 = vector.shape_cast %get3A_488 : vector<1x16xf32> to vector<16xf32>
        %mul3A_490 = arith.constant 5.65685415 : f32
        %mul3A_491 = vector.broadcast %mul3A_490 : f32 to vector<16xf32>
        %mul3A_492 = arith.mulf %get3A_489, %mul3A_491 : vector<16xf32>
        %swap3A_493 = arith.index_cast %add3A_473 : i32 to index
        %swap3A_494 = arith.constant 16 : index
        %swap3A_495 = tpu.vector_load %arg12[%swap3A_493, %swap3A_494] {strides = array<i32>} : memref<128x32xf32, #tpu.memory_space<vmem>>, vector<1x16xf32>,
        %swap3A_496 = vector.shape_cast %swap3A_495 : vector<1x16xf32> to vector<16xf32>
        %swap3A_497 = vector.shape_cast %mul3A_492 : vector<16xf32> to vector<1x16xf32>
        tpu.vector_store %arg12[%swap3A_493, %swap3A_494], %swap3A_497 {strides = array<i32>} : memref<128x32xf32, #tpu.memory_space<vmem>>, vector<1x16xf32>,
      }
      %scan3A_140 = arith.constant 128 : i32
      %add3A_141 = arith.constant 1 : i32
      %add3A_142 = arith.addi %add3A_89, %add3A_141 : i32
      %lt3A_143 = arith.constant 10 : i32
      %lt3A_144 = arith.cmpi slt, %add3A_142, %lt3A_143 : i32
      %convert_element_type3A_145 = arith.extui %lt3A_144 : i1 to i32
      %cond3A_146 = arith.constant 0 : i32
      %cond3A_147 = arith.cmpi ne, %convert_element_type3A_145, %cond3A_146 : i32
      scf.if %cond3A_147 {
        %add3A_261 = arith.constant 5 : i32
        %add3A_262 = arith.addi %add3A_124, %add3A_261 : i32
        %dma_start3A_263 = arith.constant 0 : i32
        %dma_start3A_264 = tpu.memref_slice %arg5[%add3A_262, %dma_start3A_263] : memref<50x128xi32, #tpu.memory_space<vmem>> -> memref<1x128xi32, #tpu.memory_space<vmem>>
        %dma_start3A_265 = tpu.memref_squeeze %dma_start3A_264 : memref<1x128xi32, #tpu.memory_space<vmem>> -> memref<128xi32, #tpu.memory_space<vmem>>
        %dma_start3A_266 = arith.constant 0 : i32
        %dma_start3A_267 = arith.constant 0 : i32
        %dma_start3A_268 = tpu.memref_slice %arg3[%dma_start3A_266, %dma_start3A_267] : memref<1000000x32xf32, #tpu.memory_space<hbm>> -> memref<1000000x32xf32, #tpu.memory_space<hbm>>
        tpu.enqueue_indirect_dma source(%dma_start3A_268 : memref<1000000x32xf32, #tpu.memory_space<hbm>>) target(%arg7 : memref<128x32xf32, #tpu.memory_space<vmem>>) offsets(%dma_start3A_265 : memref<128xi32, #tpu.memory_space<vmem>>) semaphore(%arg17 : memref<!tpu.dma_semaphore, #tpu.memory_space<semaphore_mem>>)
      } else {
      }
      %mul3A_148 = arith.constant 128 : i32
      %mul3A_149 = arith.muli %add3A, %mul3A_148 : i32
      %dma_start3A_150 = arith.constant 0 : i32
      %dma_start3A_151 = tpu.memref_slice %arg4[%add3A_124, %mul3A_149, %dma_start3A_150] : memref<50x4096x32xf32, #tpu.memory_space<hbm>> -> memref<1x128x32xf32, #tpu.memory_space<hbm>>
      %dma_start3A_152 = tpu.memref_squeeze %dma_start3A_151 : memref<1x128x32xf32, #tpu.memory_space<hbm>> -> memref<128x32xf32, #tpu.memory_space<hbm>>
      %dma_start3A_153 = arith.constant 0 : i32
      %dma_start3A_154 = tpu.memref_slice %arg4[%add3A_124, %mul3A_149, %dma_start3A_153] : memref<50x4096x32xf32, #tpu.memory_space<hbm>> -> memref<1x128x32xf32, #tpu.memory_space<hbm>>
      %dma_start3A_155 = tpu.memref_squeeze %dma_start3A_154 : memref<1x128x32xf32, #tpu.memory_space<hbm>> -> memref<128x32xf32, #tpu.memory_space<hbm>>
      tpu.enqueue_dma source(%arg12 : memref<128x32xf32, #tpu.memory_space<vmem>>) target(%dma_start3A_155 : memref<128x32xf32, #tpu.memory_space<hbm>>) target_semaphore(%arg22 : memref<!tpu.dma_semaphore, #tpu.memory_space<semaphore_mem>>)
      %mul3A_156 = arith.constant 5 : i32
      %mul3A_157 = arith.muli %add3A_89, %mul3A_156 : i32
      %add3A_158 = arith.constant 2 : i32
      %add3A_159 = arith.addi %mul3A_157, %add3A_158 : i32
      %dma_wait3A_160 = arith.constant 0 : i32
      %dma_wait3A_161 = tpu.memref_slice %arg5[%add3A_159, %dma_wait3A_160] : memref<50x128xi32, #tpu.memory_space<vmem>> -> memref<1x128xi32, #tpu.memory_space<vmem>>
      %dma_wait3A_162 = tpu.memref_squeeze %dma_wait3A_161 : memref<1x128xi32, #tpu.memory_space<vmem>> -> memref<128xi32, #tpu.memory_space<vmem>>
      %dma_wait3A_163 = arith.constant 0 : i32
      %dma_wait3A_164 = arith.constant 0 : i32
      %dma_wait3A_165 = tpu.memref_slice %arg3[%dma_wait3A_163, %dma_wait3A_164] : memref<1000000x32xf32, #tpu.memory_space<hbm>> -> memref<1000000x32xf32, #tpu.memory_space<hbm>>
      tpu.wait_indirect_dma semaphore(%arg18 : memref<!tpu.dma_semaphore, #tpu.memory_space<semaphore_mem>>) src(%dma_wait3A_165 : memref<1000000x32xf32, #tpu.memory_space<hbm>>) dst(%arg8 : memref<128x32xf32, #tpu.memory_space<vmem>>)
      %gt3A_166 = arith.constant 0 : i32
      %gt3A_167 = arith.cmpi sgt, %add3A_89, %gt3A_166 : i32
      %convert_element_type3A_168 = arith.extui %gt3A_167 : i1 to i32
      %cond3A_169 = arith.constant 0 : i32
      %cond3A_170 = arith.cmpi ne, %convert_element_type3A_168, %cond3A_169 : i32
      scf.if %cond3A_170 {
        %mul3A_261 = arith.constant 128 : i32
        %mul3A_262 = arith.muli %add3A, %mul3A_261 : i32
        %dma_wait3A_263 = arith.constant 0 : i32
        %dma_wait3A_264 = tpu.memref_slice %arg4[%add3A_159, %mul3A_262, %dma_wait3A_263] : memref<50x4096x32xf32, #tpu.memory_space<hbm>> -> memref<1x128x32xf32, #tpu.memory_space<hbm>>
        %dma_wait3A_265 = tpu.memref_squeeze %dma_wait3A_264 : memref<1x128x32xf32, #tpu.memory_space<hbm>> -> memref<128x32xf32, #tpu.memory_space<hbm>>
        %dma_wait3A_266 = arith.constant 0 : i32
        %dma_wait3A_267 = tpu.memref_slice %arg4[%add3A_159, %mul3A_262, %dma_wait3A_266] : memref<50x4096x32xf32, #tpu.memory_space<hbm>> -> memref<1x128x32xf32, #tpu.memory_space<hbm>>
        %dma_wait3A_268 = tpu.memref_squeeze %dma_wait3A_267 : memref<1x128x32xf32, #tpu.memory_space<hbm>> -> memref<128x32xf32, #tpu.memory_space<hbm>>
        tpu.wait_dma2 semaphore(%arg23 : memref<!tpu.dma_semaphore, #tpu.memory_space<semaphore_mem>>) src(%arg13 : memref<128x32xf32, #tpu.memory_space<vmem>>) dst(%dma_wait3A_268 : memref<128x32xf32, #tpu.memory_space<hbm>>)
      } else {
      }
      %scan3A_171 = arith.constant 0 : i32
      %scan3A_172 = arith.constant 128 : i32
      %scan3A_173 = arith.addi %scan3A_171, %scan3A_172 : i32
      %scan3A_174 = arith.constant 8 : i32
      scf.for %scan3A_261 = %scan3A_171 to %scan3A_173 step %scan3A_174  : i32 {
        %mul3A_262 = arith.constant 1 : i32
        %mul3A_263 = arith.muli %scan3A_261, %mul3A_262 : i32
        %add3A_264 = arith.constant 0 : i32
        %add3A_265 = arith.addi %add3A_264, %mul3A_263 : i32
        %get3A = arith.index_cast %add3A_265 : i32 to index
        %get3A_266 = arith.constant 0 : index
        %get3A_267 = tpu.vector_load %arg8[%get3A, %get3A_266] {strides = array<i32>} : memref<128x32xf32, #tpu.memory_space<vmem>>, vector<1x16xf32>,
        %get3A_268 = vector.shape_cast %get3A_267 : vector<1x16xf32> to vector<16xf32>
        %mul3A_269 = arith.constant 5.65685415 : f32
        %mul3A_270 = vector.broadcast %mul3A_269 : f32 to vector<16xf32>
        %mul3A_271 = arith.mulf %get3A_268, %mul3A_270 : vector<16xf32>
        %swap3A = arith.index_cast %add3A_265 : i32 to index
        %swap3A_272 = arith.constant 0 : index
        %swap3A_273 = tpu.vector_load %arg13[%swap3A, %swap3A_272] {strides = array<i32>} : memref<128x32xf32, #tpu.memory_space<vmem>>, vector<1x16xf32>,
        %swap3A_274 = vector.shape_cast %swap3A_273 : vector<1x16xf32> to vector<16xf32>
        %swap3A_275 = vector.shape_cast %mul3A_271 : vector<16xf32> to vector<1x16xf32>
        tpu.vector_store %arg13[%swap3A, %swap3A_272], %swap3A_275 {strides = array<i32>} : memref<128x32xf32, #tpu.memory_space<vmem>>, vector<1x16xf32>,
        %get3A_276 = arith.index_cast %add3A_265 : i32 to index
        %get3A_277 = arith.constant 16 : index
        %get3A_278 = tpu.vector_load %arg8[%get3A_276, %get3A_277] {strides = array<i32>} : memref<128x32xf32, #tpu.memory_space<vmem>>, vector<1x16xf32>,
        %get3A_279 = vector.shape_cast %get3A_278 : vector<1x16xf32> to vector<16xf32>
        %mul3A_280 = arith.constant 5.65685415 : f32
        %mul3A_281 = vector.broadcast %mul3A_280 : f32 to vector<16xf32>
        %mul3A_282 = arith.mulf %get3A_279, %mul3A_281 : vector<16xf32>
        %swap3A_283 = arith.index_cast %add3A_265 : i32 to index
        %swap3A_284 = arith.constant 16 : index
        %swap3A_285 = tpu.vector_load %arg13[%swap3A_283, %swap3A_284] {strides = array<i32>} : memref<128x32xf32, #tpu.memory_space<vmem>>, vector<1x16xf32>,
        %swap3A_286 = vector.shape_cast %swap3A_285 : vector<1x16xf32> to vector<16xf32>
        %swap3A_287 = vector.shape_cast %mul3A_282 : vector<16xf32> to vector<1x16xf32>
        tpu.vector_store %arg13[%swap3A_283, %swap3A_284], %swap3A_287 {strides = array<i32>} : memref<128x32xf32, #tpu.memory_space<vmem>>, vector<1x16xf32>,
        %scan3A_288 = arith.constant 1 : i32
        %scan3A_289 = arith.addi %scan3A_261, %scan3A_288 : i32
        %mul3A_290 = arith.constant 1 : i32
        %mul3A_291 = arith.muli %scan3A_289, %mul3A_290 : i32
        %add3A_292 = arith.constant 0 : i32
        %add3A_293 = arith.addi %add3A_292, %mul3A_291 : i32
        %get3A_294 = arith.index_cast %add3A_293 : i32 to index
        %get3A_295 = arith.constant 0 : index
        %get3A_296 = tpu.vector_load %arg8[%get3A_294, %get3A_295] {strides = array<i32>} : memref<128x32xf32, #tpu.memory_space<vmem>>, vector<1x16xf32>,
        %get3A_297 = vector.shape_cast %get3A_296 : vector<1x16xf32> to vector<16xf32>
        %mul3A_298 = arith.constant 5.65685415 : f32
        %mul3A_299 = vector.broadcast %mul3A_298 : f32 to vector<16xf32>
        %mul3A_300 = arith.mulf %get3A_297, %mul3A_299 : vector<16xf32>
        %swap3A_301 = arith.index_cast %add3A_293 : i32 to index
        %swap3A_302 = arith.constant 0 : index
        %swap3A_303 = tpu.vector_load %arg13[%swap3A_301, %swap3A_302] {strides = array<i32>} : memref<128x32xf32, #tpu.memory_space<vmem>>, vector<1x16xf32>,
        %swap3A_304 = vector.shape_cast %swap3A_303 : vector<1x16xf32> to vector<16xf32>
        %swap3A_305 = vector.shape_cast %mul3A_300 : vector<16xf32> to vector<1x16xf32>
        tpu.vector_store %arg13[%swap3A_301, %swap3A_302], %swap3A_305 {strides = array<i32>} : memref<128x32xf32, #tpu.memory_space<vmem>>, vector<1x16xf32>,
        %get3A_306 = arith.index_cast %add3A_293 : i32 to index
        %get3A_307 = arith.constant 16 : index
        %get3A_308 = tpu.vector_load %arg8[%get3A_306, %get3A_307] {strides = array<i32>} : memref<128x32xf32, #tpu.memory_space<vmem>>, vector<1x16xf32>,
        %get3A_309 = vector.shape_cast %get3A_308 : vector<1x16xf32> to vector<16xf32>
        %mul3A_310 = arith.constant 5.65685415 : f32
        %mul3A_311 = vector.broadcast %mul3A_310 : f32 to vector<16xf32>
        %mul3A_312 = arith.mulf %get3A_309, %mul3A_311 : vector<16xf32>
        %swap3A_313 = arith.index_cast %add3A_293 : i32 to index
        %swap3A_314 = arith.constant 16 : index
        %swap3A_315 = tpu.vector_load %arg13[%swap3A_313, %swap3A_314] {strides = array<i32>} : memref<128x32xf32, #tpu.memory_space<vmem>>, vector<1x16xf32>,
        %swap3A_316 = vector.shape_cast %swap3A_315 : vector<1x16xf32> to vector<16xf32>
        %swap3A_317 = vector.shape_cast %mul3A_312 : vector<16xf32> to vector<1x16xf32>
        tpu.vector_store %arg13[%swap3A_313, %swap3A_314], %swap3A_317 {strides = array<i32>} : memref<128x32xf32, #tpu.memory_space<vmem>>, vector<1x16xf32>,
        %scan3A_318 = arith.constant 2 : i32
        %scan3A_319 = arith.addi %scan3A_261, %scan3A_318 : i32
        %mul3A_320 = arith.constant 1 : i32
        %mul3A_321 = arith.muli %scan3A_319, %mul3A_320 : i32
        %add3A_322 = arith.constant 0 : i32
        %add3A_323 = arith.addi %add3A_322, %mul3A_321 : i32
        %get3A_324 = arith.index_cast %add3A_323 : i32 to index
        %get3A_325 = arith.constant 0 : index
        %get3A_326 = tpu.vector_load %arg8[%get3A_324, %get3A_325] {strides = array<i32>} : memref<128x32xf32, #tpu.memory_space<vmem>>, vector<1x16xf32>,
        %get3A_327 = vector.shape_cast %get3A_326 : vector<1x16xf32> to vector<16xf32>
        %mul3A_328 = arith.constant 5.65685415 : f32
        %mul3A_329 = vector.broadcast %mul3A_328 : f32 to vector<16xf32>
        %mul3A_330 = arith.mulf %get3A_327, %mul3A_329 : vector<16xf32>
        %swap3A_331 = arith.index_cast %add3A_323 : i32 to index
        %swap3A_332 = arith.constant 0 : index
        %swap3A_333 = tpu.vector_load %arg13[%swap3A_331, %swap3A_332] {strides = array<i32>} : memref<128x32xf32, #tpu.memory_space<vmem>>, vector<1x16xf32>,
        %swap3A_334 = vector.shape_cast %swap3A_333 : vector<1x16xf32> to vector<16xf32>
        %swap3A_335 = vector.shape_cast %mul3A_330 : vector<16xf32> to vector<1x16xf32>
        tpu.vector_store %arg13[%swap3A_331, %swap3A_332], %swap3A_335 {strides = array<i32>} : memref<128x32xf32, #tpu.memory_space<vmem>>, vector<1x16xf32>,
        %get3A_336 = arith.index_cast %add3A_323 : i32 to index
        %get3A_337 = arith.constant 16 : index
        %get3A_338 = tpu.vector_load %arg8[%get3A_336, %get3A_337] {strides = array<i32>} : memref<128x32xf32, #tpu.memory_space<vmem>>, vector<1x16xf32>,
        %get3A_339 = vector.shape_cast %get3A_338 : vector<1x16xf32> to vector<16xf32>
        %mul3A_340 = arith.constant 5.65685415 : f32
        %mul3A_341 = vector.broadcast %mul3A_340 : f32 to vector<16xf32>
        %mul3A_342 = arith.mulf %get3A_339, %mul3A_341 : vector<16xf32>
        %swap3A_343 = arith.index_cast %add3A_323 : i32 to index
        %swap3A_344 = arith.constant 16 : index
        %swap3A_345 = tpu.vector_load %arg13[%swap3A_343, %swap3A_344] {strides = array<i32>} : memref<128x32xf32, #tpu.memory_space<vmem>>, vector<1x16xf32>,
        %swap3A_346 = vector.shape_cast %swap3A_345 : vector<1x16xf32> to vector<16xf32>
        %swap3A_347 = vector.shape_cast %mul3A_342 : vector<16xf32> to vector<1x16xf32>
        tpu.vector_store %arg13[%swap3A_343, %swap3A_344], %swap3A_347 {strides = array<i32>} : memref<128x32xf32, #tpu.memory_space<vmem>>, vector<1x16xf32>,
        %scan3A_348 = arith.constant 3 : i32
        %scan3A_349 = arith.addi %scan3A_261, %scan3A_348 : i32
        %mul3A_350 = arith.constant 1 : i32
        %mul3A_351 = arith.muli %scan3A_349, %mul3A_350 : i32
        %add3A_352 = arith.constant 0 : i32
        %add3A_353 = arith.addi %add3A_352, %mul3A_351 : i32
        %get3A_354 = arith.index_cast %add3A_353 : i32 to index
        %get3A_355 = arith.constant 0 : index
        %get3A_356 = tpu.vector_load %arg8[%get3A_354, %get3A_355] {strides = array<i32>} : memref<128x32xf32, #tpu.memory_space<vmem>>, vector<1x16xf32>,
        %get3A_357 = vector.shape_cast %get3A_356 : vector<1x16xf32> to vector<16xf32>
        %mul3A_358 = arith.constant 5.65685415 : f32
        %mul3A_359 = vector.broadcast %mul3A_358 : f32 to vector<16xf32>
        %mul3A_360 = arith.mulf %get3A_357, %mul3A_359 : vector<16xf32>
        %swap3A_361 = arith.index_cast %add3A_353 : i32 to index
        %swap3A_362 = arith.constant 0 : index
        %swap3A_363 = tpu.vector_load %arg13[%swap3A_361, %swap3A_362] {strides = array<i32>} : memref<128x32xf32, #tpu.memory_space<vmem>>, vector<1x16xf32>,
        %swap3A_364 = vector.shape_cast %swap3A_363 : vector<1x16xf32> to vector<16xf32>
        %swap3A_365 = vector.shape_cast %mul3A_360 : vector<16xf32> to vector<1x16xf32>
        tpu.vector_store %arg13[%swap3A_361, %swap3A_362], %swap3A_365 {strides = array<i32>} : memref<128x32xf32, #tpu.memory_space<vmem>>, vector<1x16xf32>,
        %get3A_366 = arith.index_cast %add3A_353 : i32 to index
        %get3A_367 = arith.constant 16 : index
        %get3A_368 = tpu.vector_load %arg8[%get3A_366, %get3A_367] {strides = array<i32>} : memref<128x32xf32, #tpu.memory_space<vmem>>, vector<1x16xf32>,
        %get3A_369 = vector.shape_cast %get3A_368 : vector<1x16xf32> to vector<16xf32>
        %mul3A_370 = arith.constant 5.65685415 : f32
        %mul3A_371 = vector.broadcast %mul3A_370 : f32 to vector<16xf32>
        %mul3A_372 = arith.mulf %get3A_369, %mul3A_371 : vector<16xf32>
        %swap3A_373 = arith.index_cast %add3A_353 : i32 to index
        %swap3A_374 = arith.constant 16 : index
        %swap3A_375 = tpu.vector_load %arg13[%swap3A_373, %swap3A_374] {strides = array<i32>} : memref<128x32xf32, #tpu.memory_space<vmem>>, vector<1x16xf32>,
        %swap3A_376 = vector.shape_cast %swap3A_375 : vector<1x16xf32> to vector<16xf32>
        %swap3A_377 = vector.shape_cast %mul3A_372 : vector<16xf32> to vector<1x16xf32>
        tpu.vector_store %arg13[%swap3A_373, %swap3A_374], %swap3A_377 {strides = array<i32>} : memref<128x32xf32, #tpu.memory_space<vmem>>, vector<1x16xf32>,
        %scan3A_378 = arith.constant 4 : i32
        %scan3A_379 = arith.addi %scan3A_261, %scan3A_378 : i32
        %mul3A_380 = arith.constant 1 : i32
        %mul3A_381 = arith.muli %scan3A_379, %mul3A_380 : i32
        %add3A_382 = arith.constant 0 : i32
        %add3A_383 = arith.addi %add3A_382, %mul3A_381 : i32
        %get3A_384 = arith.index_cast %add3A_383 : i32 to index
        %get3A_385 = arith.constant 0 : index
        %get3A_386 = tpu.vector_load %arg8[%get3A_384, %get3A_385] {strides = array<i32>} : memref<128x32xf32, #tpu.memory_space<vmem>>, vector<1x16xf32>,
        %get3A_387 = vector.shape_cast %get3A_386 : vector<1x16xf32> to vector<16xf32>
        %mul3A_388 = arith.constant 5.65685415 : f32
        %mul3A_389 = vector.broadcast %mul3A_388 : f32 to vector<16xf32>
        %mul3A_390 = arith.mulf %get3A_387, %mul3A_389 : vector<16xf32>
        %swap3A_391 = arith.index_cast %add3A_383 : i32 to index
        %swap3A_392 = arith.constant 0 : index
        %swap3A_393 = tpu.vector_load %arg13[%swap3A_391, %swap3A_392] {strides = array<i32>} : memref<128x32xf32, #tpu.memory_space<vmem>>, vector<1x16xf32>,
        %swap3A_394 = vector.shape_cast %swap3A_393 : vector<1x16xf32> to vector<16xf32>
        %swap3A_395 = vector.shape_cast %mul3A_390 : vector<16xf32> to vector<1x16xf32>
        tpu.vector_store %arg13[%swap3A_391, %swap3A_392], %swap3A_395 {strides = array<i32>} : memref<128x32xf32, #tpu.memory_space<vmem>>, vector<1x16xf32>,
        %get3A_396 = arith.index_cast %add3A_383 : i32 to index
        %get3A_397 = arith.constant 16 : index
        %get3A_398 = tpu.vector_load %arg8[%get3A_396, %get3A_397] {strides = array<i32>} : memref<128x32xf32, #tpu.memory_space<vmem>>, vector<1x16xf32>,
        %get3A_399 = vector.shape_cast %get3A_398 : vector<1x16xf32> to vector<16xf32>
        %mul3A_400 = arith.constant 5.65685415 : f32
        %mul3A_401 = vector.broadcast %mul3A_400 : f32 to vector<16xf32>
        %mul3A_402 = arith.mulf %get3A_399, %mul3A_401 : vector<16xf32>
        %swap3A_403 = arith.index_cast %add3A_383 : i32 to index
        %swap3A_404 = arith.constant 16 : index
        %swap3A_405 = tpu.vector_load %arg13[%swap3A_403, %swap3A_404] {strides = array<i32>} : memref<128x32xf32, #tpu.memory_space<vmem>>, vector<1x16xf32>,
        %swap3A_406 = vector.shape_cast %swap3A_405 : vector<1x16xf32> to vector<16xf32>
        %swap3A_407 = vector.shape_cast %mul3A_402 : vector<16xf32> to vector<1x16xf32>
        tpu.vector_store %arg13[%swap3A_403, %swap3A_404], %swap3A_407 {strides = array<i32>} : memref<128x32xf32, #tpu.memory_space<vmem>>, vector<1x16xf32>,
        %scan3A_408 = arith.constant 5 : i32
        %scan3A_409 = arith.addi %scan3A_261, %scan3A_408 : i32
        %mul3A_410 = arith.constant 1 : i32
        %mul3A_411 = arith.muli %scan3A_409, %mul3A_410 : i32
        %add3A_412 = arith.constant 0 : i32
        %add3A_413 = arith.addi %add3A_412, %mul3A_411 : i32
        %get3A_414 = arith.index_cast %add3A_413 : i32 to index
        %get3A_415 = arith.constant 0 : index
        %get3A_416 = tpu.vector_load %arg8[%get3A_414, %get3A_415] {strides = array<i32>} : memref<128x32xf32, #tpu.memory_space<vmem>>, vector<1x16xf32>,
        %get3A_417 = vector.shape_cast %get3A_416 : vector<1x16xf32> to vector<16xf32>
        %mul3A_418 = arith.constant 5.65685415 : f32
        %mul3A_419 = vector.broadcast %mul3A_418 : f32 to vector<16xf32>
        %mul3A_420 = arith.mulf %get3A_417, %mul3A_419 : vector<16xf32>
        %swap3A_421 = arith.index_cast %add3A_413 : i32 to index
        %swap3A_422 = arith.constant 0 : index
        %swap3A_423 = tpu.vector_load %arg13[%swap3A_421, %swap3A_422] {strides = array<i32>} : memref<128x32xf32, #tpu.memory_space<vmem>>, vector<1x16xf32>,
        %swap3A_424 = vector.shape_cast %swap3A_423 : vector<1x16xf32> to vector<16xf32>
        %swap3A_425 = vector.shape_cast %mul3A_420 : vector<16xf32> to vector<1x16xf32>
        tpu.vector_store %arg13[%swap3A_421, %swap3A_422], %swap3A_425 {strides = array<i32>} : memref<128x32xf32, #tpu.memory_space<vmem>>, vector<1x16xf32>,
        %get3A_426 = arith.index_cast %add3A_413 : i32 to index
        %get3A_427 = arith.constant 16 : index
        %get3A_428 = tpu.vector_load %arg8[%get3A_426, %get3A_427] {strides = array<i32>} : memref<128x32xf32, #tpu.memory_space<vmem>>, vector<1x16xf32>,
        %get3A_429 = vector.shape_cast %get3A_428 : vector<1x16xf32> to vector<16xf32>
        %mul3A_430 = arith.constant 5.65685415 : f32
        %mul3A_431 = vector.broadcast %mul3A_430 : f32 to vector<16xf32>
        %mul3A_432 = arith.mulf %get3A_429, %mul3A_431 : vector<16xf32>
        %swap3A_433 = arith.index_cast %add3A_413 : i32 to index
        %swap3A_434 = arith.constant 16 : index
        %swap3A_435 = tpu.vector_load %arg13[%swap3A_433, %swap3A_434] {strides = array<i32>} : memref<128x32xf32, #tpu.memory_space<vmem>>, vector<1x16xf32>,
        %swap3A_436 = vector.shape_cast %swap3A_435 : vector<1x16xf32> to vector<16xf32>
        %swap3A_437 = vector.shape_cast %mul3A_432 : vector<16xf32> to vector<1x16xf32>
        tpu.vector_store %arg13[%swap3A_433, %swap3A_434], %swap3A_437 {strides = array<i32>} : memref<128x32xf32, #tpu.memory_space<vmem>>, vector<1x16xf32>,
        %scan3A_438 = arith.constant 6 : i32
        %scan3A_439 = arith.addi %scan3A_261, %scan3A_438 : i32
        %mul3A_440 = arith.constant 1 : i32
        %mul3A_441 = arith.muli %scan3A_439, %mul3A_440 : i32
        %add3A_442 = arith.constant 0 : i32
        %add3A_443 = arith.addi %add3A_442, %mul3A_441 : i32
        %get3A_444 = arith.index_cast %add3A_443 : i32 to index
        %get3A_445 = arith.constant 0 : index
        %get3A_446 = tpu.vector_load %arg8[%get3A_444, %get3A_445] {strides = array<i32>} : memref<128x32xf32, #tpu.memory_space<vmem>>, vector<1x16xf32>,
        %get3A_447 = vector.shape_cast %get3A_446 : vector<1x16xf32> to vector<16xf32>
        %mul3A_448 = arith.constant 5.65685415 : f32
        %mul3A_449 = vector.broadcast %mul3A_448 : f32 to vector<16xf32>
        %mul3A_450 = arith.mulf %get3A_447, %mul3A_449 : vector<16xf32>
        %swap3A_451 = arith.index_cast %add3A_443 : i32 to index
        %swap3A_452 = arith.constant 0 : index
        %swap3A_453 = tpu.vector_load %arg13[%swap3A_451, %swap3A_452] {strides = array<i32>} : memref<128x32xf32, #tpu.memory_space<vmem>>, vector<1x16xf32>,
        %swap3A_454 = vector.shape_cast %swap3A_453 : vector<1x16xf32> to vector<16xf32>
        %swap3A_455 = vector.shape_cast %mul3A_450 : vector<16xf32> to vector<1x16xf32>
        tpu.vector_store %arg13[%swap3A_451, %swap3A_452], %swap3A_455 {strides = array<i32>} : memref<128x32xf32, #tpu.memory_space<vmem>>, vector<1x16xf32>,
        %get3A_456 = arith.index_cast %add3A_443 : i32 to index
        %get3A_457 = arith.constant 16 : index
        %get3A_458 = tpu.vector_load %arg8[%get3A_456, %get3A_457] {strides = array<i32>} : memref<128x32xf32, #tpu.memory_space<vmem>>, vector<1x16xf32>,
        %get3A_459 = vector.shape_cast %get3A_458 : vector<1x16xf32> to vector<16xf32>
        %mul3A_460 = arith.constant 5.65685415 : f32
        %mul3A_461 = vector.broadcast %mul3A_460 : f32 to vector<16xf32>
        %mul3A_462 = arith.mulf %get3A_459, %mul3A_461 : vector<16xf32>
        %swap3A_463 = arith.index_cast %add3A_443 : i32 to index
        %swap3A_464 = arith.constant 16 : index
        %swap3A_465 = tpu.vector_load %arg13[%swap3A_463, %swap3A_464] {strides = array<i32>} : memref<128x32xf32, #tpu.memory_space<vmem>>, vector<1x16xf32>,
        %swap3A_466 = vector.shape_cast %swap3A_465 : vector<1x16xf32> to vector<16xf32>
        %swap3A_467 = vector.shape_cast %mul3A_462 : vector<16xf32> to vector<1x16xf32>
        tpu.vector_store %arg13[%swap3A_463, %swap3A_464], %swap3A_467 {strides = array<i32>} : memref<128x32xf32, #tpu.memory_space<vmem>>, vector<1x16xf32>,
        %scan3A_468 = arith.constant 7 : i32
        %scan3A_469 = arith.addi %scan3A_261, %scan3A_468 : i32
        %mul3A_470 = arith.constant 1 : i32
        %mul3A_471 = arith.muli %scan3A_469, %mul3A_470 : i32
        %add3A_472 = arith.constant 0 : i32
        %add3A_473 = arith.addi %add3A_472, %mul3A_471 : i32
        %get3A_474 = arith.index_cast %add3A_473 : i32 to index
        %get3A_475 = arith.constant 0 : index
        %get3A_476 = tpu.vector_load %arg8[%get3A_474, %get3A_475] {strides = array<i32>} : memref<128x32xf32, #tpu.memory_space<vmem>>, vector<1x16xf32>,
        %get3A_477 = vector.shape_cast %get3A_476 : vector<1x16xf32> to vector<16xf32>
        %mul3A_478 = arith.constant 5.65685415 : f32
        %mul3A_479 = vector.broadcast %mul3A_478 : f32 to vector<16xf32>
        %mul3A_480 = arith.mulf %get3A_477, %mul3A_479 : vector<16xf32>
        %swap3A_481 = arith.index_cast %add3A_473 : i32 to index
        %swap3A_482 = arith.constant 0 : index
        %swap3A_483 = tpu.vector_load %arg13[%swap3A_481, %swap3A_482] {strides = array<i32>} : memref<128x32xf32, #tpu.memory_space<vmem>>, vector<1x16xf32>,
        %swap3A_484 = vector.shape_cast %swap3A_483 : vector<1x16xf32> to vector<16xf32>
        %swap3A_485 = vector.shape_cast %mul3A_480 : vector<16xf32> to vector<1x16xf32>
        tpu.vector_store %arg13[%swap3A_481, %swap3A_482], %swap3A_485 {strides = array<i32>} : memref<128x32xf32, #tpu.memory_space<vmem>>, vector<1x16xf32>,
        %get3A_486 = arith.index_cast %add3A_473 : i32 to index
        %get3A_487 = arith.constant 16 : index
        %get3A_488 = tpu.vector_load %arg8[%get3A_486, %get3A_487] {strides = array<i32>} : memref<128x32xf32, #tpu.memory_space<vmem>>, vector<1x16xf32>,
        %get3A_489 = vector.shape_cast %get3A_488 : vector<1x16xf32> to vector<16xf32>
        %mul3A_490 = arith.constant 5.65685415 : f32
        %mul3A_491 = vector.broadcast %mul3A_490 : f32 to vector<16xf32>
        %mul3A_492 = arith.mulf %get3A_489, %mul3A_491 : vector<16xf32>
        %swap3A_493 = arith.index_cast %add3A_473 : i32 to index
        %swap3A_494 = arith.constant 16 : index
        %swap3A_495 = tpu.vector_load %arg13[%swap3A_493, %swap3A_494] {strides = array<i32>} : memref<128x32xf32, #tpu.memory_space<vmem>>, vector<1x16xf32>,
        %swap3A_496 = vector.shape_cast %swap3A_495 : vector<1x16xf32> to vector<16xf32>
        %swap3A_497 = vector.shape_cast %mul3A_492 : vector<16xf32> to vector<1x16xf32>
        tpu.vector_store %arg13[%swap3A_493, %swap3A_494], %swap3A_497 {strides = array<i32>} : memref<128x32xf32, #tpu.memory_space<vmem>>, vector<1x16xf32>,
      }
      %scan3A_175 = arith.constant 128 : i32
      %add3A_176 = arith.constant 1 : i32
      %add3A_177 = arith.addi %add3A_89, %add3A_176 : i32
      %lt3A_178 = arith.constant 10 : i32
      %lt3A_179 = arith.cmpi slt, %add3A_177, %lt3A_178 : i32
      %convert_element_type3A_180 = arith.extui %lt3A_179 : i1 to i32
      %cond3A_181 = arith.constant 0 : i32
      %cond3A_182 = arith.cmpi ne, %convert_element_type3A_180, %cond3A_181 : i32
      scf.if %cond3A_182 {
        %add3A_261 = arith.constant 5 : i32
        %add3A_262 = arith.addi %add3A_159, %add3A_261 : i32
        %dma_start3A_263 = arith.constant 0 : i32
        %dma_start3A_264 = tpu.memref_slice %arg5[%add3A_262, %dma_start3A_263] : memref<50x128xi32, #tpu.memory_space<vmem>> -> memref<1x128xi32, #tpu.memory_space<vmem>>
        %dma_start3A_265 = tpu.memref_squeeze %dma_start3A_264 : memref<1x128xi32, #tpu.memory_space<vmem>> -> memref<128xi32, #tpu.memory_space<vmem>>
        %dma_start3A_266 = arith.constant 0 : i32
        %dma_start3A_267 = arith.constant 0 : i32
        %dma_start3A_268 = tpu.memref_slice %arg3[%dma_start3A_266, %dma_start3A_267] : memref<1000000x32xf32, #tpu.memory_space<hbm>> -> memref<1000000x32xf32, #tpu.memory_space<hbm>>
        tpu.enqueue_indirect_dma source(%dma_start3A_268 : memref<1000000x32xf32, #tpu.memory_space<hbm>>) target(%arg8 : memref<128x32xf32, #tpu.memory_space<vmem>>) offsets(%dma_start3A_265 : memref<128xi32, #tpu.memory_space<vmem>>) semaphore(%arg18 : memref<!tpu.dma_semaphore, #tpu.memory_space<semaphore_mem>>)
      } else {
      }
      %mul3A_183 = arith.constant 128 : i32
      %mul3A_184 = arith.muli %add3A, %mul3A_183 : i32
      %dma_start3A_185 = arith.constant 0 : i32
      %dma_start3A_186 = tpu.memref_slice %arg4[%add3A_159, %mul3A_184, %dma_start3A_185] : memref<50x4096x32xf32, #tpu.memory_space<hbm>> -> memref<1x128x32xf32, #tpu.memory_space<hbm>>
      %dma_start3A_187 = tpu.memref_squeeze %dma_start3A_186 : memref<1x128x32xf32, #tpu.memory_space<hbm>> -> memref<128x32xf32, #tpu.memory_space<hbm>>
      %dma_start3A_188 = arith.constant 0 : i32
      %dma_start3A_189 = tpu.memref_slice %arg4[%add3A_159, %mul3A_184, %dma_start3A_188] : memref<50x4096x32xf32, #tpu.memory_space<hbm>> -> memref<1x128x32xf32, #tpu.memory_space<hbm>>
      %dma_start3A_190 = tpu.memref_squeeze %dma_start3A_189 : memref<1x128x32xf32, #tpu.memory_space<hbm>> -> memref<128x32xf32, #tpu.memory_space<hbm>>
      tpu.enqueue_dma source(%arg13 : memref<128x32xf32, #tpu.memory_space<vmem>>) target(%dma_start3A_190 : memref<128x32xf32, #tpu.memory_space<hbm>>) target_semaphore(%arg23 : memref<!tpu.dma_semaphore, #tpu.memory_space<semaphore_mem>>)
      %mul3A_191 = arith.constant 5 : i32
      %mul3A_192 = arith.muli %add3A_89, %mul3A_191 : i32
      %add3A_193 = arith.constant 3 : i32
      %add3A_194 = arith.addi %mul3A_192, %add3A_193 : i32
      %dma_wait3A_195 = arith.constant 0 : i32
      %dma_wait3A_196 = tpu.memref_slice %arg5[%add3A_194, %dma_wait3A_195] : memref<50x128xi32, #tpu.memory_space<vmem>> -> memref<1x128xi32, #tpu.memory_space<vmem>>
      %dma_wait3A_197 = tpu.memref_squeeze %dma_wait3A_196 : memref<1x128xi32, #tpu.memory_space<vmem>> -> memref<128xi32, #tpu.memory_space<vmem>>
      %dma_wait3A_198 = arith.constant 0 : i32
      %dma_wait3A_199 = arith.constant 0 : i32
      %dma_wait3A_200 = tpu.memref_slice %arg3[%dma_wait3A_198, %dma_wait3A_199] : memref<1000000x32xf32, #tpu.memory_space<hbm>> -> memref<1000000x32xf32, #tpu.memory_space<hbm>>
      tpu.wait_indirect_dma semaphore(%arg19 : memref<!tpu.dma_semaphore, #tpu.memory_space<semaphore_mem>>) src(%dma_wait3A_200 : memref<1000000x32xf32, #tpu.memory_space<hbm>>) dst(%arg9 : memref<128x32xf32, #tpu.memory_space<vmem>>)
      %gt3A_201 = arith.constant 0 : i32
      %gt3A_202 = arith.cmpi sgt, %add3A_89, %gt3A_201 : i32
      %convert_element_type3A_203 = arith.extui %gt3A_202 : i1 to i32
      %cond3A_204 = arith.constant 0 : i32
      %cond3A_205 = arith.cmpi ne, %convert_element_type3A_203, %cond3A_204 : i32
      scf.if %cond3A_205 {
        %mul3A_261 = arith.constant 128 : i32
        %mul3A_262 = arith.muli %add3A, %mul3A_261 : i32
        %dma_wait3A_263 = arith.constant 0 : i32
        %dma_wait3A_264 = tpu.memref_slice %arg4[%add3A_194, %mul3A_262, %dma_wait3A_263] : memref<50x4096x32xf32, #tpu.memory_space<hbm>> -> memref<1x128x32xf32, #tpu.memory_space<hbm>>
        %dma_wait3A_265 = tpu.memref_squeeze %dma_wait3A_264 : memref<1x128x32xf32, #tpu.memory_space<hbm>> -> memref<128x32xf32, #tpu.memory_space<hbm>>
        %dma_wait3A_266 = arith.constant 0 : i32
        %dma_wait3A_267 = tpu.memref_slice %arg4[%add3A_194, %mul3A_262, %dma_wait3A_266] : memref<50x4096x32xf32, #tpu.memory_space<hbm>> -> memref<1x128x32xf32, #tpu.memory_space<hbm>>
        %dma_wait3A_268 = tpu.memref_squeeze %dma_wait3A_267 : memref<1x128x32xf32, #tpu.memory_space<hbm>> -> memref<128x32xf32, #tpu.memory_space<hbm>>
        tpu.wait_dma2 semaphore(%arg24 : memref<!tpu.dma_semaphore, #tpu.memory_space<semaphore_mem>>) src(%arg14 : memref<128x32xf32, #tpu.memory_space<vmem>>) dst(%dma_wait3A_268 : memref<128x32xf32, #tpu.memory_space<hbm>>)
      } else {
      }
      %scan3A_206 = arith.constant 0 : i32
      %scan3A_207 = arith.constant 128 : i32
      %scan3A_208 = arith.addi %scan3A_206, %scan3A_207 : i32
      %scan3A_209 = arith.constant 8 : i32
      scf.for %scan3A_261 = %scan3A_206 to %scan3A_208 step %scan3A_209  : i32 {
        %mul3A_262 = arith.constant 1 : i32
        %mul3A_263 = arith.muli %scan3A_261, %mul3A_262 : i32
        %add3A_264 = arith.constant 0 : i32
        %add3A_265 = arith.addi %add3A_264, %mul3A_263 : i32
        %get3A = arith.index_cast %add3A_265 : i32 to index
        %get3A_266 = arith.constant 0 : index
        %get3A_267 = tpu.vector_load %arg9[%get3A, %get3A_266] {strides = array<i32>} : memref<128x32xf32, #tpu.memory_space<vmem>>, vector<1x16xf32>,
        %get3A_268 = vector.shape_cast %get3A_267 : vector<1x16xf32> to vector<16xf32>
        %mul3A_269 = arith.constant 5.65685415 : f32
        %mul3A_270 = vector.broadcast %mul3A_269 : f32 to vector<16xf32>
        %mul3A_271 = arith.mulf %get3A_268, %mul3A_270 : vector<16xf32>
        %swap3A = arith.index_cast %add3A_265 : i32 to index
        %swap3A_272 = arith.constant 0 : index
        %swap3A_273 = tpu.vector_load %arg14[%swap3A, %swap3A_272] {strides = array<i32>} : memref<128x32xf32, #tpu.memory_space<vmem>>, vector<1x16xf32>,
        %swap3A_274 = vector.shape_cast %swap3A_273 : vector<1x16xf32> to vector<16xf32>
        %swap3A_275 = vector.shape_cast %mul3A_271 : vector<16xf32> to vector<1x16xf32>
        tpu.vector_store %arg14[%swap3A, %swap3A_272], %swap3A_275 {strides = array<i32>} : memref<128x32xf32, #tpu.memory_space<vmem>>, vector<1x16xf32>,
        %get3A_276 = arith.index_cast %add3A_265 : i32 to index
        %get3A_277 = arith.constant 16 : index
        %get3A_278 = tpu.vector_load %arg9[%get3A_276, %get3A_277] {strides = array<i32>} : memref<128x32xf32, #tpu.memory_space<vmem>>, vector<1x16xf32>,
        %get3A_279 = vector.shape_cast %get3A_278 : vector<1x16xf32> to vector<16xf32>
        %mul3A_280 = arith.constant 5.65685415 : f32
        %mul3A_281 = vector.broadcast %mul3A_280 : f32 to vector<16xf32>
        %mul3A_282 = arith.mulf %get3A_279, %mul3A_281 : vector<16xf32>
        %swap3A_283 = arith.index_cast %add3A_265 : i32 to index
        %swap3A_284 = arith.constant 16 : index
        %swap3A_285 = tpu.vector_load %arg14[%swap3A_283, %swap3A_284] {strides = array<i32>} : memref<128x32xf32, #tpu.memory_space<vmem>>, vector<1x16xf32>,
        %swap3A_286 = vector.shape_cast %swap3A_285 : vector<1x16xf32> to vector<16xf32>
        %swap3A_287 = vector.shape_cast %mul3A_282 : vector<16xf32> to vector<1x16xf32>
        tpu.vector_store %arg14[%swap3A_283, %swap3A_284], %swap3A_287 {strides = array<i32>} : memref<128x32xf32, #tpu.memory_space<vmem>>, vector<1x16xf32>,
        %scan3A_288 = arith.constant 1 : i32
        %scan3A_289 = arith.addi %scan3A_261, %scan3A_288 : i32
        %mul3A_290 = arith.constant 1 : i32
        %mul3A_291 = arith.muli %scan3A_289, %mul3A_290 : i32
        %add3A_292 = arith.constant 0 : i32
        %add3A_293 = arith.addi %add3A_292, %mul3A_291 : i32
        %get3A_294 = arith.index_cast %add3A_293 : i32 to index
        %get3A_295 = arith.constant 0 : index
        %get3A_296 = tpu.vector_load %arg9[%get3A_294, %get3A_295] {strides = array<i32>} : memref<128x32xf32, #tpu.memory_space<vmem>>, vector<1x16xf32>,
        %get3A_297 = vector.shape_cast %get3A_296 : vector<1x16xf32> to vector<16xf32>
        %mul3A_298 = arith.constant 5.65685415 : f32
        %mul3A_299 = vector.broadcast %mul3A_298 : f32 to vector<16xf32>
        %mul3A_300 = arith.mulf %get3A_297, %mul3A_299 : vector<16xf32>
        %swap3A_301 = arith.index_cast %add3A_293 : i32 to index
        %swap3A_302 = arith.constant 0 : index
        %swap3A_303 = tpu.vector_load %arg14[%swap3A_301, %swap3A_302] {strides = array<i32>} : memref<128x32xf32, #tpu.memory_space<vmem>>, vector<1x16xf32>,
        %swap3A_304 = vector.shape_cast %swap3A_303 : vector<1x16xf32> to vector<16xf32>
        %swap3A_305 = vector.shape_cast %mul3A_300 : vector<16xf32> to vector<1x16xf32>
        tpu.vector_store %arg14[%swap3A_301, %swap3A_302], %swap3A_305 {strides = array<i32>} : memref<128x32xf32, #tpu.memory_space<vmem>>, vector<1x16xf32>,
        %get3A_306 = arith.index_cast %add3A_293 : i32 to index
        %get3A_307 = arith.constant 16 : index
        %get3A_308 = tpu.vector_load %arg9[%get3A_306, %get3A_307] {strides = array<i32>} : memref<128x32xf32, #tpu.memory_space<vmem>>, vector<1x16xf32>,
        %get3A_309 = vector.shape_cast %get3A_308 : vector<1x16xf32> to vector<16xf32>
        %mul3A_310 = arith.constant 5.65685415 : f32
        %mul3A_311 = vector.broadcast %mul3A_310 : f32 to vector<16xf32>
        %mul3A_312 = arith.mulf %get3A_309, %mul3A_311 : vector<16xf32>
        %swap3A_313 = arith.index_cast %add3A_293 : i32 to index
        %swap3A_314 = arith.constant 16 : index
        %swap3A_315 = tpu.vector_load %arg14[%swap3A_313, %swap3A_314] {strides = array<i32>} : memref<128x32xf32, #tpu.memory_space<vmem>>, vector<1x16xf32>,
        %swap3A_316 = vector.shape_cast %swap3A_315 : vector<1x16xf32> to vector<16xf32>
        %swap3A_317 = vector.shape_cast %mul3A_312 : vector<16xf32> to vector<1x16xf32>
        tpu.vector_store %arg14[%swap3A_313, %swap3A_314], %swap3A_317 {strides = array<i32>} : memref<128x32xf32, #tpu.memory_space<vmem>>, vector<1x16xf32>,
        %scan3A_318 = arith.constant 2 : i32
        %scan3A_319 = arith.addi %scan3A_261, %scan3A_318 : i32
        %mul3A_320 = arith.constant 1 : i32
        %mul3A_321 = arith.muli %scan3A_319, %mul3A_320 : i32
        %add3A_322 = arith.constant 0 : i32
        %add3A_323 = arith.addi %add3A_322, %mul3A_321 : i32
        %get3A_324 = arith.index_cast %add3A_323 : i32 to index
        %get3A_325 = arith.constant 0 : index
        %get3A_326 = tpu.vector_load %arg9[%get3A_324, %get3A_325] {strides = array<i32>} : memref<128x32xf32, #tpu.memory_space<vmem>>, vector<1x16xf32>,
        %get3A_327 = vector.shape_cast %get3A_326 : vector<1x16xf32> to vector<16xf32>
        %mul3A_328 = arith.constant 5.65685415 : f32
        %mul3A_329 = vector.broadcast %mul3A_328 : f32 to vector<16xf32>
        %mul3A_330 = arith.mulf %get3A_327, %mul3A_329 : vector<16xf32>
        %swap3A_331 = arith.index_cast %add3A_323 : i32 to index
        %swap3A_332 = arith.constant 0 : index
        %swap3A_333 = tpu.vector_load %arg14[%swap3A_331, %swap3A_332] {strides = array<i32>} : memref<128x32xf32, #tpu.memory_space<vmem>>, vector<1x16xf32>,
        %swap3A_334 = vector.shape_cast %swap3A_333 : vector<1x16xf32> to vector<16xf32>
        %swap3A_335 = vector.shape_cast %mul3A_330 : vector<16xf32> to vector<1x16xf32>
        tpu.vector_store %arg14[%swap3A_331, %swap3A_332], %swap3A_335 {strides = array<i32>} : memref<128x32xf32, #tpu.memory_space<vmem>>, vector<1x16xf32>,
        %get3A_336 = arith.index_cast %add3A_323 : i32 to index
        %get3A_337 = arith.constant 16 : index
        %get3A_338 = tpu.vector_load %arg9[%get3A_336, %get3A_337] {strides = array<i32>} : memref<128x32xf32, #tpu.memory_space<vmem>>, vector<1x16xf32>,
        %get3A_339 = vector.shape_cast %get3A_338 : vector<1x16xf32> to vector<16xf32>
        %mul3A_340 = arith.constant 5.65685415 : f32
        %mul3A_341 = vector.broadcast %mul3A_340 : f32 to vector<16xf32>
        %mul3A_342 = arith.mulf %get3A_339, %mul3A_341 : vector<16xf32>
        %swap3A_343 = arith.index_cast %add3A_323 : i32 to index
        %swap3A_344 = arith.constant 16 : index
        %swap3A_345 = tpu.vector_load %arg14[%swap3A_343, %swap3A_344] {strides = array<i32>} : memref<128x32xf32, #tpu.memory_space<vmem>>, vector<1x16xf32>,
        %swap3A_346 = vector.shape_cast %swap3A_345 : vector<1x16xf32> to vector<16xf32>
        %swap3A_347 = vector.shape_cast %mul3A_342 : vector<16xf32> to vector<1x16xf32>
        tpu.vector_store %arg14[%swap3A_343, %swap3A_344], %swap3A_347 {strides = array<i32>} : memref<128x32xf32, #tpu.memory_space<vmem>>, vector<1x16xf32>,
        %scan3A_348 = arith.constant 3 : i32
        %scan3A_349 = arith.addi %scan3A_261, %scan3A_348 : i32
        %mul3A_350 = arith.constant 1 : i32
        %mul3A_351 = arith.muli %scan3A_349, %mul3A_350 : i32
        %add3A_352 = arith.constant 0 : i32
        %add3A_353 = arith.addi %add3A_352, %mul3A_351 : i32
        %get3A_354 = arith.index_cast %add3A_353 : i32 to index
        %get3A_355 = arith.constant 0 : index
        %get3A_356 = tpu.vector_load %arg9[%get3A_354, %get3A_355] {strides = array<i32>} : memref<128x32xf32, #tpu.memory_space<vmem>>, vector<1x16xf32>,
        %get3A_357 = vector.shape_cast %get3A_356 : vector<1x16xf32> to vector<16xf32>
        %mul3A_358 = arith.constant 5.65685415 : f32
        %mul3A_359 = vector.broadcast %mul3A_358 : f32 to vector<16xf32>
        %mul3A_360 = arith.mulf %get3A_357, %mul3A_359 : vector<16xf32>
        %swap3A_361 = arith.index_cast %add3A_353 : i32 to index
        %swap3A_362 = arith.constant 0 : index
        %swap3A_363 = tpu.vector_load %arg14[%swap3A_361, %swap3A_362] {strides = array<i32>} : memref<128x32xf32, #tpu.memory_space<vmem>>, vector<1x16xf32>,
        %swap3A_364 = vector.shape_cast %swap3A_363 : vector<1x16xf32> to vector<16xf32>
        %swap3A_365 = vector.shape_cast %mul3A_360 : vector<16xf32> to vector<1x16xf32>
        tpu.vector_store %arg14[%swap3A_361, %swap3A_362], %swap3A_365 {strides = array<i32>} : memref<128x32xf32, #tpu.memory_space<vmem>>, vector<1x16xf32>,
        %get3A_366 = arith.index_cast %add3A_353 : i32 to index
        %get3A_367 = arith.constant 16 : index
        %get3A_368 = tpu.vector_load %arg9[%get3A_366, %get3A_367] {strides = array<i32>} : memref<128x32xf32, #tpu.memory_space<vmem>>, vector<1x16xf32>,
        %get3A_369 = vector.shape_cast %get3A_368 : vector<1x16xf32> to vector<16xf32>
        %mul3A_370 = arith.constant 5.65685415 : f32
        %mul3A_371 = vector.broadcast %mul3A_370 : f32 to vector<16xf32>
        %mul3A_372 = arith.mulf %get3A_369, %mul3A_371 : vector<16xf32>
        %swap3A_373 = arith.index_cast %add3A_353 : i32 to index
        %swap3A_374 = arith.constant 16 : index
        %swap3A_375 = tpu.vector_load %arg14[%swap3A_373, %swap3A_374] {strides = array<i32>} : memref<128x32xf32, #tpu.memory_space<vmem>>, vector<1x16xf32>,
        %swap3A_376 = vector.shape_cast %swap3A_375 : vector<1x16xf32> to vector<16xf32>
        %swap3A_377 = vector.shape_cast %mul3A_372 : vector<16xf32> to vector<1x16xf32>
        tpu.vector_store %arg14[%swap3A_373, %swap3A_374], %swap3A_377 {strides = array<i32>} : memref<128x32xf32, #tpu.memory_space<vmem>>, vector<1x16xf32>,
        %scan3A_378 = arith.constant 4 : i32
        %scan3A_379 = arith.addi %scan3A_261, %scan3A_378 : i32
        %mul3A_380 = arith.constant 1 : i32
        %mul3A_381 = arith.muli %scan3A_379, %mul3A_380 : i32
        %add3A_382 = arith.constant 0 : i32
        %add3A_383 = arith.addi %add3A_382, %mul3A_381 : i32
        %get3A_384 = arith.index_cast %add3A_383 : i32 to index
        %get3A_385 = arith.constant 0 : index
        %get3A_386 = tpu.vector_load %arg9[%get3A_384, %get3A_385] {strides = array<i32>} : memref<128x32xf32, #tpu.memory_space<vmem>>, vector<1x16xf32>,
        %get3A_387 = vector.shape_cast %get3A_386 : vector<1x16xf32> to vector<16xf32>
        %mul3A_388 = arith.constant 5.65685415 : f32
        %mul3A_389 = vector.broadcast %mul3A_388 : f32 to vector<16xf32>
        %mul3A_390 = arith.mulf %get3A_387, %mul3A_389 : vector<16xf32>
        %swap3A_391 = arith.index_cast %add3A_383 : i32 to index
        %swap3A_392 = arith.constant 0 : index
        %swap3A_393 = tpu.vector_load %arg14[%swap3A_391, %swap3A_392] {strides = array<i32>} : memref<128x32xf32, #tpu.memory_space<vmem>>, vector<1x16xf32>,
        %swap3A_394 = vector.shape_cast %swap3A_393 : vector<1x16xf32> to vector<16xf32>
        %swap3A_395 = vector.shape_cast %mul3A_390 : vector<16xf32> to vector<1x16xf32>
        tpu.vector_store %arg14[%swap3A_391, %swap3A_392], %swap3A_395 {strides = array<i32>} : memref<128x32xf32, #tpu.memory_space<vmem>>, vector<1x16xf32>,
        %get3A_396 = arith.index_cast %add3A_383 : i32 to index
        %get3A_397 = arith.constant 16 : index
        %get3A_398 = tpu.vector_load %arg9[%get3A_396, %get3A_397] {strides = array<i32>} : memref<128x32xf32, #tpu.memory_space<vmem>>, vector<1x16xf32>,
        %get3A_399 = vector.shape_cast %get3A_398 : vector<1x16xf32> to vector<16xf32>
        %mul3A_400 = arith.constant 5.65685415 : f32
        %mul3A_401 = vector.broadcast %mul3A_400 : f32 to vector<16xf32>
        %mul3A_402 = arith.mulf %get3A_399, %mul3A_401 : vector<16xf32>
        %swap3A_403 = arith.index_cast %add3A_383 : i32 to index
        %swap3A_404 = arith.constant 16 : index
        %swap3A_405 = tpu.vector_load %arg14[%swap3A_403, %swap3A_404] {strides = array<i32>} : memref<128x32xf32, #tpu.memory_space<vmem>>, vector<1x16xf32>,
        %swap3A_406 = vector.shape_cast %swap3A_405 : vector<1x16xf32> to vector<16xf32>
        %swap3A_407 = vector.shape_cast %mul3A_402 : vector<16xf32> to vector<1x16xf32>
        tpu.vector_store %arg14[%swap3A_403, %swap3A_404], %swap3A_407 {strides = array<i32>} : memref<128x32xf32, #tpu.memory_space<vmem>>, vector<1x16xf32>,
        %scan3A_408 = arith.constant 5 : i32
        %scan3A_409 = arith.addi %scan3A_261, %scan3A_408 : i32
        %mul3A_410 = arith.constant 1 : i32
        %mul3A_411 = arith.muli %scan3A_409, %mul3A_410 : i32
        %add3A_412 = arith.constant 0 : i32
        %add3A_413 = arith.addi %add3A_412, %mul3A_411 : i32
        %get3A_414 = arith.index_cast %add3A_413 : i32 to index
        %get3A_415 = arith.constant 0 : index
        %get3A_416 = tpu.vector_load %arg9[%get3A_414, %get3A_415] {strides = array<i32>} : memref<128x32xf32, #tpu.memory_space<vmem>>, vector<1x16xf32>,
        %get3A_417 = vector.shape_cast %get3A_416 : vector<1x16xf32> to vector<16xf32>
        %mul3A_418 = arith.constant 5.65685415 : f32
        %mul3A_419 = vector.broadcast %mul3A_418 : f32 to vector<16xf32>
        %mul3A_420 = arith.mulf %get3A_417, %mul3A_419 : vector<16xf32>
        %swap3A_421 = arith.index_cast %add3A_413 : i32 to index
        %swap3A_422 = arith.constant 0 : index
        %swap3A_423 = tpu.vector_load %arg14[%swap3A_421, %swap3A_422] {strides = array<i32>} : memref<128x32xf32, #tpu.memory_space<vmem>>, vector<1x16xf32>,
        %swap3A_424 = vector.shape_cast %swap3A_423 : vector<1x16xf32> to vector<16xf32>
        %swap3A_425 = vector.shape_cast %mul3A_420 : vector<16xf32> to vector<1x16xf32>
        tpu.vector_store %arg14[%swap3A_421, %swap3A_422], %swap3A_425 {strides = array<i32>} : memref<128x32xf32, #tpu.memory_space<vmem>>, vector<1x16xf32>,
        %get3A_426 = arith.index_cast %add3A_413 : i32 to index
        %get3A_427 = arith.constant 16 : index
        %get3A_428 = tpu.vector_load %arg9[%get3A_426, %get3A_427] {strides = array<i32>} : memref<128x32xf32, #tpu.memory_space<vmem>>, vector<1x16xf32>,
        %get3A_429 = vector.shape_cast %get3A_428 : vector<1x16xf32> to vector<16xf32>
        %mul3A_430 = arith.constant 5.65685415 : f32
        %mul3A_431 = vector.broadcast %mul3A_430 : f32 to vector<16xf32>
        %mul3A_432 = arith.mulf %get3A_429, %mul3A_431 : vector<16xf32>
        %swap3A_433 = arith.index_cast %add3A_413 : i32 to index
        %swap3A_434 = arith.constant 16 : index
        %swap3A_435 = tpu.vector_load %arg14[%swap3A_433, %swap3A_434] {strides = array<i32>} : memref<128x32xf32, #tpu.memory_space<vmem>>, vector<1x16xf32>,
        %swap3A_436 = vector.shape_cast %swap3A_435 : vector<1x16xf32> to vector<16xf32>
        %swap3A_437 = vector.shape_cast %mul3A_432 : vector<16xf32> to vector<1x16xf32>
        tpu.vector_store %arg14[%swap3A_433, %swap3A_434], %swap3A_437 {strides = array<i32>} : memref<128x32xf32, #tpu.memory_space<vmem>>, vector<1x16xf32>,
        %scan3A_438 = arith.constant 6 : i32
        %scan3A_439 = arith.addi %scan3A_261, %scan3A_438 : i32
        %mul3A_440 = arith.constant 1 : i32
        %mul3A_441 = arith.muli %scan3A_439, %mul3A_440 : i32
        %add3A_442 = arith.constant 0 : i32
        %add3A_443 = arith.addi %add3A_442, %mul3A_441 : i32
        %get3A_444 = arith.index_cast %add3A_443 : i32 to index
        %get3A_445 = arith.constant 0 : index
        %get3A_446 = tpu.vector_load %arg9[%get3A_444, %get3A_445] {strides = array<i32>} : memref<128x32xf32, #tpu.memory_space<vmem>>, vector<1x16xf32>,
        %get3A_447 = vector.shape_cast %get3A_446 : vector<1x16xf32> to vector<16xf32>
        %mul3A_448 = arith.constant 5.65685415 : f32
        %mul3A_449 = vector.broadcast %mul3A_448 : f32 to vector<16xf32>
        %mul3A_450 = arith.mulf %get3A_447, %mul3A_449 : vector<16xf32>
        %swap3A_451 = arith.index_cast %add3A_443 : i32 to index
        %swap3A_452 = arith.constant 0 : index
        %swap3A_453 = tpu.vector_load %arg14[%swap3A_451, %swap3A_452] {strides = array<i32>} : memref<128x32xf32, #tpu.memory_space<vmem>>, vector<1x16xf32>,
        %swap3A_454 = vector.shape_cast %swap3A_453 : vector<1x16xf32> to vector<16xf32>
        %swap3A_455 = vector.shape_cast %mul3A_450 : vector<16xf32> to vector<1x16xf32>
        tpu.vector_store %arg14[%swap3A_451, %swap3A_452], %swap3A_455 {strides = array<i32>} : memref<128x32xf32, #tpu.memory_space<vmem>>, vector<1x16xf32>,
        %get3A_456 = arith.index_cast %add3A_443 : i32 to index
        %get3A_457 = arith.constant 16 : index
        %get3A_458 = tpu.vector_load %arg9[%get3A_456, %get3A_457] {strides = array<i32>} : memref<128x32xf32, #tpu.memory_space<vmem>>, vector<1x16xf32>,
        %get3A_459 = vector.shape_cast %get3A_458 : vector<1x16xf32> to vector<16xf32>
        %mul3A_460 = arith.constant 5.65685415 : f32
        %mul3A_461 = vector.broadcast %mul3A_460 : f32 to vector<16xf32>
        %mul3A_462 = arith.mulf %get3A_459, %mul3A_461 : vector<16xf32>
        %swap3A_463 = arith.index_cast %add3A_443 : i32 to index
        %swap3A_464 = arith.constant 16 : index
        %swap3A_465 = tpu.vector_load %arg14[%swap3A_463, %swap3A_464] {strides = array<i32>} : memref<128x32xf32, #tpu.memory_space<vmem>>, vector<1x16xf32>,
        %swap3A_466 = vector.shape_cast %swap3A_465 : vector<1x16xf32> to vector<16xf32>
        %swap3A_467 = vector.shape_cast %mul3A_462 : vector<16xf32> to vector<1x16xf32>
        tpu.vector_store %arg14[%swap3A_463, %swap3A_464], %swap3A_467 {strides = array<i32>} : memref<128x32xf32, #tpu.memory_space<vmem>>, vector<1x16xf32>,
        %scan3A_468 = arith.constant 7 : i32
        %scan3A_469 = arith.addi %scan3A_261, %scan3A_468 : i32
        %mul3A_470 = arith.constant 1 : i32
        %mul3A_471 = arith.muli %scan3A_469, %mul3A_470 : i32
        %add3A_472 = arith.constant 0 : i32
        %add3A_473 = arith.addi %add3A_472, %mul3A_471 : i32
        %get3A_474 = arith.index_cast %add3A_473 : i32 to index
        %get3A_475 = arith.constant 0 : index
        %get3A_476 = tpu.vector_load %arg9[%get3A_474, %get3A_475] {strides = array<i32>} : memref<128x32xf32, #tpu.memory_space<vmem>>, vector<1x16xf32>,
        %get3A_477 = vector.shape_cast %get3A_476 : vector<1x16xf32> to vector<16xf32>
        %mul3A_478 = arith.constant 5.65685415 : f32
        %mul3A_479 = vector.broadcast %mul3A_478 : f32 to vector<16xf32>
        %mul3A_480 = arith.mulf %get3A_477, %mul3A_479 : vector<16xf32>
        %swap3A_481 = arith.index_cast %add3A_473 : i32 to index
        %swap3A_482 = arith.constant 0 : index
        %swap3A_483 = tpu.vector_load %arg14[%swap3A_481, %swap3A_482] {strides = array<i32>} : memref<128x32xf32, #tpu.memory_space<vmem>>, vector<1x16xf32>,
        %swap3A_484 = vector.shape_cast %swap3A_483 : vector<1x16xf32> to vector<16xf32>
        %swap3A_485 = vector.shape_cast %mul3A_480 : vector<16xf32> to vector<1x16xf32>
        tpu.vector_store %arg14[%swap3A_481, %swap3A_482], %swap3A_485 {strides = array<i32>} : memref<128x32xf32, #tpu.memory_space<vmem>>, vector<1x16xf32>,
        %get3A_486 = arith.index_cast %add3A_473 : i32 to index
        %get3A_487 = arith.constant 16 : index
        %get3A_488 = tpu.vector_load %arg9[%get3A_486, %get3A_487] {strides = array<i32>} : memref<128x32xf32, #tpu.memory_space<vmem>>, vector<1x16xf32>,
        %get3A_489 = vector.shape_cast %get3A_488 : vector<1x16xf32> to vector<16xf32>
        %mul3A_490 = arith.constant 5.65685415 : f32
        %mul3A_491 = vector.broadcast %mul3A_490 : f32 to vector<16xf32>
        %mul3A_492 = arith.mulf %get3A_489, %mul3A_491 : vector<16xf32>
        %swap3A_493 = arith.index_cast %add3A_473 : i32 to index
        %swap3A_494 = arith.constant 16 : index
        %swap3A_495 = tpu.vector_load %arg14[%swap3A_493, %swap3A_494] {strides = array<i32>} : memref<128x32xf32, #tpu.memory_space<vmem>>, vector<1x16xf32>,
        %swap3A_496 = vector.shape_cast %swap3A_495 : vector<1x16xf32> to vector<16xf32>
        %swap3A_497 = vector.shape_cast %mul3A_492 : vector<16xf32> to vector<1x16xf32>
        tpu.vector_store %arg14[%swap3A_493, %swap3A_494], %swap3A_497 {strides = array<i32>} : memref<128x32xf32, #tpu.memory_space<vmem>>, vector<1x16xf32>,
      }
      %scan3A_210 = arith.constant 128 : i32
      %add3A_211 = arith.constant 1 : i32
      %add3A_212 = arith.addi %add3A_89, %add3A_211 : i32
      %lt3A_213 = arith.constant 10 : i32
      %lt3A_214 = arith.cmpi slt, %add3A_212, %lt3A_213 : i32
      %convert_element_type3A_215 = arith.extui %lt3A_214 : i1 to i32
      %cond3A_216 = arith.constant 0 : i32
      %cond3A_217 = arith.cmpi ne, %convert_element_type3A_215, %cond3A_216 : i32
      scf.if %cond3A_217 {
        %add3A_261 = arith.constant 5 : i32
        %add3A_262 = arith.addi %add3A_194, %add3A_261 : i32
        %dma_start3A_263 = arith.constant 0 : i32
        %dma_start3A_264 = tpu.memref_slice %arg5[%add3A_262, %dma_start3A_263] : memref<50x128xi32, #tpu.memory_space<vmem>> -> memref<1x128xi32, #tpu.memory_space<vmem>>
        %dma_start3A_265 = tpu.memref_squeeze %dma_start3A_264 : memref<1x128xi32, #tpu.memory_space<vmem>> -> memref<128xi32, #tpu.memory_space<vmem>>
        %dma_start3A_266 = arith.constant 0 : i32
        %dma_start3A_267 = arith.constant 0 : i32
        %dma_start3A_268 = tpu.memref_slice %arg3[%dma_start3A_266, %dma_start3A_267] : memref<1000000x32xf32, #tpu.memory_space<hbm>> -> memref<1000000x32xf32, #tpu.memory_space<hbm>>
        tpu.enqueue_indirect_dma source(%dma_start3A_268 : memref<1000000x32xf32, #tpu.memory_space<hbm>>) target(%arg9 : memref<128x32xf32, #tpu.memory_space<vmem>>) offsets(%dma_start3A_265 : memref<128xi32, #tpu.memory_space<vmem>>) semaphore(%arg19 : memref<!tpu.dma_semaphore, #tpu.memory_space<semaphore_mem>>)
      } else {
      }
      %mul3A_218 = arith.constant 128 : i32
      %mul3A_219 = arith.muli %add3A, %mul3A_218 : i32
      %dma_start3A_220 = arith.constant 0 : i32
      %dma_start3A_221 = tpu.memref_slice %arg4[%add3A_194, %mul3A_219, %dma_start3A_220] : memref<50x4096x32xf32, #tpu.memory_space<hbm>> -> memref<1x128x32xf32, #tpu.memory_space<hbm>>
      %dma_start3A_222 = tpu.memref_squeeze %dma_start3A_221 : memref<1x128x32xf32, #tpu.memory_space<hbm>> -> memref<128x32xf32, #tpu.memory_space<hbm>>
      %dma_start3A_223 = arith.constant 0 : i32
      %dma_start3A_224 = tpu.memref_slice %arg4[%add3A_194, %mul3A_219, %dma_start3A_223] : memref<50x4096x32xf32, #tpu.memory_space<hbm>> -> memref<1x128x32xf32, #tpu.memory_space<hbm>>
      %dma_start3A_225 = tpu.memref_squeeze %dma_start3A_224 : memref<1x128x32xf32, #tpu.memory_space<hbm>> -> memref<128x32xf32, #tpu.memory_space<hbm>>
      tpu.enqueue_dma source(%arg14 : memref<128x32xf32, #tpu.memory_space<vmem>>) target(%dma_start3A_225 : memref<128x32xf32, #tpu.memory_space<hbm>>) target_semaphore(%arg24 : memref<!tpu.dma_semaphore, #tpu.memory_space<semaphore_mem>>)
      %mul3A_226 = arith.constant 5 : i32
      %mul3A_227 = arith.muli %add3A_89, %mul3A_226 : i32
      %add3A_228 = arith.constant 4 : i32
      %add3A_229 = arith.addi %mul3A_227, %add3A_228 : i32
      %dma_wait3A_230 = arith.constant 0 : i32
      %dma_wait3A_231 = tpu.memref_slice %arg5[%add3A_229, %dma_wait3A_230] : memref<50x128xi32, #tpu.memory_space<vmem>> -> memref<1x128xi32, #tpu.memory_space<vmem>>
      %dma_wait3A_232 = tpu.memref_squeeze %dma_wait3A_231 : memref<1x128xi32, #tpu.memory_space<vmem>> -> memref<128xi32, #tpu.memory_space<vmem>>
      %dma_wait3A_233 = arith.constant 0 : i32
      %dma_wait3A_234 = arith.constant 0 : i32
      %dma_wait3A_235 = tpu.memref_slice %arg3[%dma_wait3A_233, %dma_wait3A_234] : memref<1000000x32xf32, #tpu.memory_space<hbm>> -> memref<1000000x32xf32, #tpu.memory_space<hbm>>
      tpu.wait_indirect_dma semaphore(%arg20 : memref<!tpu.dma_semaphore, #tpu.memory_space<semaphore_mem>>) src(%dma_wait3A_235 : memref<1000000x32xf32, #tpu.memory_space<hbm>>) dst(%arg10 : memref<128x32xf32, #tpu.memory_space<vmem>>)
      %gt3A_236 = arith.constant 0 : i32
      %gt3A_237 = arith.cmpi sgt, %add3A_89, %gt3A_236 : i32
      %convert_element_type3A_238 = arith.extui %gt3A_237 : i1 to i32
      %cond3A_239 = arith.constant 0 : i32
      %cond3A_240 = arith.cmpi ne, %convert_element_type3A_238, %cond3A_239 : i32
      scf.if %cond3A_240 {
        %mul3A_261 = arith.constant 128 : i32
        %mul3A_262 = arith.muli %add3A, %mul3A_261 : i32
        %dma_wait3A_263 = arith.constant 0 : i32
        %dma_wait3A_264 = tpu.memref_slice %arg4[%add3A_229, %mul3A_262, %dma_wait3A_263] : memref<50x4096x32xf32, #tpu.memory_space<hbm>> -> memref<1x128x32xf32, #tpu.memory_space<hbm>>
        %dma_wait3A_265 = tpu.memref_squeeze %dma_wait3A_264 : memref<1x128x32xf32, #tpu.memory_space<hbm>> -> memref<128x32xf32, #tpu.memory_space<hbm>>
        %dma_wait3A_266 = arith.constant 0 : i32
        %dma_wait3A_267 = tpu.memref_slice %arg4[%add3A_229, %mul3A_262, %dma_wait3A_266] : memref<50x4096x32xf32, #tpu.memory_space<hbm>> -> memref<1x128x32xf32, #tpu.memory_space<hbm>>
        %dma_wait3A_268 = tpu.memref_squeeze %dma_wait3A_267 : memref<1x128x32xf32, #tpu.memory_space<hbm>> -> memref<128x32xf32, #tpu.memory_space<hbm>>
        tpu.wait_dma2 semaphore(%arg25 : memref<!tpu.dma_semaphore, #tpu.memory_space<semaphore_mem>>) src(%arg15 : memref<128x32xf32, #tpu.memory_space<vmem>>) dst(%dma_wait3A_268 : memref<128x32xf32, #tpu.memory_space<hbm>>)
      } else {
      }
      %scan3A_241 = arith.constant 0 : i32
      %scan3A_242 = arith.constant 128 : i32
      %scan3A_243 = arith.addi %scan3A_241, %scan3A_242 : i32
      %scan3A_244 = arith.constant 8 : i32
      scf.for %scan3A_261 = %scan3A_241 to %scan3A_243 step %scan3A_244  : i32 {
        %mul3A_262 = arith.constant 1 : i32
        %mul3A_263 = arith.muli %scan3A_261, %mul3A_262 : i32
        %add3A_264 = arith.constant 0 : i32
        %add3A_265 = arith.addi %add3A_264, %mul3A_263 : i32
        %get3A = arith.index_cast %add3A_265 : i32 to index
        %get3A_266 = arith.constant 0 : index
        %get3A_267 = tpu.vector_load %arg10[%get3A, %get3A_266] {strides = array<i32>} : memref<128x32xf32, #tpu.memory_space<vmem>>, vector<1x16xf32>,
        %get3A_268 = vector.shape_cast %get3A_267 : vector<1x16xf32> to vector<16xf32>
        %mul3A_269 = arith.constant 5.65685415 : f32
        %mul3A_270 = vector.broadcast %mul3A_269 : f32 to vector<16xf32>
        %mul3A_271 = arith.mulf %get3A_268, %mul3A_270 : vector<16xf32>
        %swap3A = arith.index_cast %add3A_265 : i32 to index
        %swap3A_272 = arith.constant 0 : index
        %swap3A_273 = tpu.vector_load %arg15[%swap3A, %swap3A_272] {strides = array<i32>} : memref<128x32xf32, #tpu.memory_space<vmem>>, vector<1x16xf32>,
        %swap3A_274 = vector.shape_cast %swap3A_273 : vector<1x16xf32> to vector<16xf32>
        %swap3A_275 = vector.shape_cast %mul3A_271 : vector<16xf32> to vector<1x16xf32>
        tpu.vector_store %arg15[%swap3A, %swap3A_272], %swap3A_275 {strides = array<i32>} : memref<128x32xf32, #tpu.memory_space<vmem>>, vector<1x16xf32>,
        %get3A_276 = arith.index_cast %add3A_265 : i32 to index
        %get3A_277 = arith.constant 16 : index
        %get3A_278 = tpu.vector_load %arg10[%get3A_276, %get3A_277] {strides = array<i32>} : memref<128x32xf32, #tpu.memory_space<vmem>>, vector<1x16xf32>,
        %get3A_279 = vector.shape_cast %get3A_278 : vector<1x16xf32> to vector<16xf32>
        %mul3A_280 = arith.constant 5.65685415 : f32
        %mul3A_281 = vector.broadcast %mul3A_280 : f32 to vector<16xf32>
        %mul3A_282 = arith.mulf %get3A_279, %mul3A_281 : vector<16xf32>
        %swap3A_283 = arith.index_cast %add3A_265 : i32 to index
        %swap3A_284 = arith.constant 16 : index
        %swap3A_285 = tpu.vector_load %arg15[%swap3A_283, %swap3A_284] {strides = array<i32>} : memref<128x32xf32, #tpu.memory_space<vmem>>, vector<1x16xf32>,
        %swap3A_286 = vector.shape_cast %swap3A_285 : vector<1x16xf32> to vector<16xf32>
        %swap3A_287 = vector.shape_cast %mul3A_282 : vector<16xf32> to vector<1x16xf32>
        tpu.vector_store %arg15[%swap3A_283, %swap3A_284], %swap3A_287 {strides = array<i32>} : memref<128x32xf32, #tpu.memory_space<vmem>>, vector<1x16xf32>,
        %scan3A_288 = arith.constant 1 : i32
        %scan3A_289 = arith.addi %scan3A_261, %scan3A_288 : i32
        %mul3A_290 = arith.constant 1 : i32
        %mul3A_291 = arith.muli %scan3A_289, %mul3A_290 : i32
        %add3A_292 = arith.constant 0 : i32
        %add3A_293 = arith.addi %add3A_292, %mul3A_291 : i32
        %get3A_294 = arith.index_cast %add3A_293 : i32 to index
        %get3A_295 = arith.constant 0 : index
        %get3A_296 = tpu.vector_load %arg10[%get3A_294, %get3A_295] {strides = array<i32>} : memref<128x32xf32, #tpu.memory_space<vmem>>, vector<1x16xf32>,
        %get3A_297 = vector.shape_cast %get3A_296 : vector<1x16xf32> to vector<16xf32>
        %mul3A_298 = arith.constant 5.65685415 : f32
        %mul3A_299 = vector.broadcast %mul3A_298 : f32 to vector<16xf32>
        %mul3A_300 = arith.mulf %get3A_297, %mul3A_299 : vector<16xf32>
        %swap3A_301 = arith.index_cast %add3A_293 : i32 to index
        %swap3A_302 = arith.constant 0 : index
        %swap3A_303 = tpu.vector_load %arg15[%swap3A_301, %swap3A_302] {strides = array<i32>} : memref<128x32xf32, #tpu.memory_space<vmem>>, vector<1x16xf32>,
        %swap3A_304 = vector.shape_cast %swap3A_303 : vector<1x16xf32> to vector<16xf32>
        %swap3A_305 = vector.shape_cast %mul3A_300 : vector<16xf32> to vector<1x16xf32>
        tpu.vector_store %arg15[%swap3A_301, %swap3A_302], %swap3A_305 {strides = array<i32>} : memref<128x32xf32, #tpu.memory_space<vmem>>, vector<1x16xf32>,
        %get3A_306 = arith.index_cast %add3A_293 : i32 to index
        %get3A_307 = arith.constant 16 : index
        %get3A_308 = tpu.vector_load %arg10[%get3A_306, %get3A_307] {strides = array<i32>} : memref<128x32xf32, #tpu.memory_space<vmem>>, vector<1x16xf32>,
        %get3A_309 = vector.shape_cast %get3A_308 : vector<1x16xf32> to vector<16xf32>
        %mul3A_310 = arith.constant 5.65685415 : f32
        %mul3A_311 = vector.broadcast %mul3A_310 : f32 to vector<16xf32>
        %mul3A_312 = arith.mulf %get3A_309, %mul3A_311 : vector<16xf32>
        %swap3A_313 = arith.index_cast %add3A_293 : i32 to index
        %swap3A_314 = arith.constant 16 : index
        %swap3A_315 = tpu.vector_load %arg15[%swap3A_313, %swap3A_314] {strides = array<i32>} : memref<128x32xf32, #tpu.memory_space<vmem>>, vector<1x16xf32>,
        %swap3A_316 = vector.shape_cast %swap3A_315 : vector<1x16xf32> to vector<16xf32>
        %swap3A_317 = vector.shape_cast %mul3A_312 : vector<16xf32> to vector<1x16xf32>
        tpu.vector_store %arg15[%swap3A_313, %swap3A_314], %swap3A_317 {strides = array<i32>} : memref<128x32xf32, #tpu.memory_space<vmem>>, vector<1x16xf32>,
        %scan3A_318 = arith.constant 2 : i32
        %scan3A_319 = arith.addi %scan3A_261, %scan3A_318 : i32
        %mul3A_320 = arith.constant 1 : i32
        %mul3A_321 = arith.muli %scan3A_319, %mul3A_320 : i32
        %add3A_322 = arith.constant 0 : i32
        %add3A_323 = arith.addi %add3A_322, %mul3A_321 : i32
        %get3A_324 = arith.index_cast %add3A_323 : i32 to index
        %get3A_325 = arith.constant 0 : index
        %get3A_326 = tpu.vector_load %arg10[%get3A_324, %get3A_325] {strides = array<i32>} : memref<128x32xf32, #tpu.memory_space<vmem>>, vector<1x16xf32>,
        %get3A_327 = vector.shape_cast %get3A_326 : vector<1x16xf32> to vector<16xf32>
        %mul3A_328 = arith.constant 5.65685415 : f32
        %mul3A_329 = vector.broadcast %mul3A_328 : f32 to vector<16xf32>
        %mul3A_330 = arith.mulf %get3A_327, %mul3A_329 : vector<16xf32>
        %swap3A_331 = arith.index_cast %add3A_323 : i32 to index
        %swap3A_332 = arith.constant 0 : index
        %swap3A_333 = tpu.vector_load %arg15[%swap3A_331, %swap3A_332] {strides = array<i32>} : memref<128x32xf32, #tpu.memory_space<vmem>>, vector<1x16xf32>,
        %swap3A_334 = vector.shape_cast %swap3A_333 : vector<1x16xf32> to vector<16xf32>
        %swap3A_335 = vector.shape_cast %mul3A_330 : vector<16xf32> to vector<1x16xf32>
        tpu.vector_store %arg15[%swap3A_331, %swap3A_332], %swap3A_335 {strides = array<i32>} : memref<128x32xf32, #tpu.memory_space<vmem>>, vector<1x16xf32>,
        %get3A_336 = arith.index_cast %add3A_323 : i32 to index
        %get3A_337 = arith.constant 16 : index
        %get3A_338 = tpu.vector_load %arg10[%get3A_336, %get3A_337] {strides = array<i32>} : memref<128x32xf32, #tpu.memory_space<vmem>>, vector<1x16xf32>,
        %get3A_339 = vector.shape_cast %get3A_338 : vector<1x16xf32> to vector<16xf32>
        %mul3A_340 = arith.constant 5.65685415 : f32
        %mul3A_341 = vector.broadcast %mul3A_340 : f32 to vector<16xf32>
        %mul3A_342 = arith.mulf %get3A_339, %mul3A_341 : vector<16xf32>
        %swap3A_343 = arith.index_cast %add3A_323 : i32 to index
        %swap3A_344 = arith.constant 16 : index
        %swap3A_345 = tpu.vector_load %arg15[%swap3A_343, %swap3A_344] {strides = array<i32>} : memref<128x32xf32, #tpu.memory_space<vmem>>, vector<1x16xf32>,
        %swap3A_346 = vector.shape_cast %swap3A_345 : vector<1x16xf32> to vector<16xf32>
        %swap3A_347 = vector.shape_cast %mul3A_342 : vector<16xf32> to vector<1x16xf32>
        tpu.vector_store %arg15[%swap3A_343, %swap3A_344], %swap3A_347 {strides = array<i32>} : memref<128x32xf32, #tpu.memory_space<vmem>>, vector<1x16xf32>,
        %scan3A_348 = arith.constant 3 : i32
        %scan3A_349 = arith.addi %scan3A_261, %scan3A_348 : i32
        %mul3A_350 = arith.constant 1 : i32
        %mul3A_351 = arith.muli %scan3A_349, %mul3A_350 : i32
        %add3A_352 = arith.constant 0 : i32
        %add3A_353 = arith.addi %add3A_352, %mul3A_351 : i32
        %get3A_354 = arith.index_cast %add3A_353 : i32 to index
        %get3A_355 = arith.constant 0 : index
        %get3A_356 = tpu.vector_load %arg10[%get3A_354, %get3A_355] {strides = array<i32>} : memref<128x32xf32, #tpu.memory_space<vmem>>, vector<1x16xf32>,
        %get3A_357 = vector.shape_cast %get3A_356 : vector<1x16xf32> to vector<16xf32>
        %mul3A_358 = arith.constant 5.65685415 : f32
        %mul3A_359 = vector.broadcast %mul3A_358 : f32 to vector<16xf32>
        %mul3A_360 = arith.mulf %get3A_357, %mul3A_359 : vector<16xf32>
        %swap3A_361 = arith.index_cast %add3A_353 : i32 to index
        %swap3A_362 = arith.constant 0 : index
        %swap3A_363 = tpu.vector_load %arg15[%swap3A_361, %swap3A_362] {strides = array<i32>} : memref<128x32xf32, #tpu.memory_space<vmem>>, vector<1x16xf32>,
        %swap3A_364 = vector.shape_cast %swap3A_363 : vector<1x16xf32> to vector<16xf32>
        %swap3A_365 = vector.shape_cast %mul3A_360 : vector<16xf32> to vector<1x16xf32>
        tpu.vector_store %arg15[%swap3A_361, %swap3A_362], %swap3A_365 {strides = array<i32>} : memref<128x32xf32, #tpu.memory_space<vmem>>, vector<1x16xf32>,
        %get3A_366 = arith.index_cast %add3A_353 : i32 to index
        %get3A_367 = arith.constant 16 : index
        %get3A_368 = tpu.vector_load %arg10[%get3A_366, %get3A_367] {strides = array<i32>} : memref<128x32xf32, #tpu.memory_space<vmem>>, vector<1x16xf32>,
        %get3A_369 = vector.shape_cast %get3A_368 : vector<1x16xf32> to vector<16xf32>
        %mul3A_370 = arith.constant 5.65685415 : f32
        %mul3A_371 = vector.broadcast %mul3A_370 : f32 to vector<16xf32>
        %mul3A_372 = arith.mulf %get3A_369, %mul3A_371 : vector<16xf32>
        %swap3A_373 = arith.index_cast %add3A_353 : i32 to index
        %swap3A_374 = arith.constant 16 : index
        %swap3A_375 = tpu.vector_load %arg15[%swap3A_373, %swap3A_374] {strides = array<i32>} : memref<128x32xf32, #tpu.memory_space<vmem>>, vector<1x16xf32>,
        %swap3A_376 = vector.shape_cast %swap3A_375 : vector<1x16xf32> to vector<16xf32>
        %swap3A_377 = vector.shape_cast %mul3A_372 : vector<16xf32> to vector<1x16xf32>
        tpu.vector_store %arg15[%swap3A_373, %swap3A_374], %swap3A_377 {strides = array<i32>} : memref<128x32xf32, #tpu.memory_space<vmem>>, vector<1x16xf32>,
        %scan3A_378 = arith.constant 4 : i32
        %scan3A_379 = arith.addi %scan3A_261, %scan3A_378 : i32
        %mul3A_380 = arith.constant 1 : i32
        %mul3A_381 = arith.muli %scan3A_379, %mul3A_380 : i32
        %add3A_382 = arith.constant 0 : i32
        %add3A_383 = arith.addi %add3A_382, %mul3A_381 : i32
        %get3A_384 = arith.index_cast %add3A_383 : i32 to index
        %get3A_385 = arith.constant 0 : index
        %get3A_386 = tpu.vector_load %arg10[%get3A_384, %get3A_385] {strides = array<i32>} : memref<128x32xf32, #tpu.memory_space<vmem>>, vector<1x16xf32>,
        %get3A_387 = vector.shape_cast %get3A_386 : vector<1x16xf32> to vector<16xf32>
        %mul3A_388 = arith.constant 5.65685415 : f32
        %mul3A_389 = vector.broadcast %mul3A_388 : f32 to vector<16xf32>
        %mul3A_390 = arith.mulf %get3A_387, %mul3A_389 : vector<16xf32>
        %swap3A_391 = arith.index_cast %add3A_383 : i32 to index
        %swap3A_392 = arith.constant 0 : index
        %swap3A_393 = tpu.vector_load %arg15[%swap3A_391, %swap3A_392] {strides = array<i32>} : memref<128x32xf32, #tpu.memory_space<vmem>>, vector<1x16xf32>,
        %swap3A_394 = vector.shape_cast %swap3A_393 : vector<1x16xf32> to vector<16xf32>
        %swap3A_395 = vector.shape_cast %mul3A_390 : vector<16xf32> to vector<1x16xf32>
        tpu.vector_store %arg15[%swap3A_391, %swap3A_392], %swap3A_395 {strides = array<i32>} : memref<128x32xf32, #tpu.memory_space<vmem>>, vector<1x16xf32>,
        %get3A_396 = arith.index_cast %add3A_383 : i32 to index
        %get3A_397 = arith.constant 16 : index
        %get3A_398 = tpu.vector_load %arg10[%get3A_396, %get3A_397] {strides = array<i32>} : memref<128x32xf32, #tpu.memory_space<vmem>>, vector<1x16xf32>,
        %get3A_399 = vector.shape_cast %get3A_398 : vector<1x16xf32> to vector<16xf32>
        %mul3A_400 = arith.constant 5.65685415 : f32
        %mul3A_401 = vector.broadcast %mul3A_400 : f32 to vector<16xf32>
        %mul3A_402 = arith.mulf %get3A_399, %mul3A_401 : vector<16xf32>
        %swap3A_403 = arith.index_cast %add3A_383 : i32 to index
        %swap3A_404 = arith.constant 16 : index
        %swap3A_405 = tpu.vector_load %arg15[%swap3A_403, %swap3A_404] {strides = array<i32>} : memref<128x32xf32, #tpu.memory_space<vmem>>, vector<1x16xf32>,
        %swap3A_406 = vector.shape_cast %swap3A_405 : vector<1x16xf32> to vector<16xf32>
        %swap3A_407 = vector.shape_cast %mul3A_402 : vector<16xf32> to vector<1x16xf32>
        tpu.vector_store %arg15[%swap3A_403, %swap3A_404], %swap3A_407 {strides = array<i32>} : memref<128x32xf32, #tpu.memory_space<vmem>>, vector<1x16xf32>,
        %scan3A_408 = arith.constant 5 : i32
        %scan3A_409 = arith.addi %scan3A_261, %scan3A_408 : i32
        %mul3A_410 = arith.constant 1 : i32
        %mul3A_411 = arith.muli %scan3A_409, %mul3A_410 : i32
        %add3A_412 = arith.constant 0 : i32
        %add3A_413 = arith.addi %add3A_412, %mul3A_411 : i32
        %get3A_414 = arith.index_cast %add3A_413 : i32 to index
        %get3A_415 = arith.constant 0 : index
        %get3A_416 = tpu.vector_load %arg10[%get3A_414, %get3A_415] {strides = array<i32>} : memref<128x32xf32, #tpu.memory_space<vmem>>, vector<1x16xf32>,
        %get3A_417 = vector.shape_cast %get3A_416 : vector<1x16xf32> to vector<16xf32>
        %mul3A_418 = arith.constant 5.65685415 : f32
        %mul3A_419 = vector.broadcast %mul3A_418 : f32 to vector<16xf32>
        %mul3A_420 = arith.mulf %get3A_417, %mul3A_419 : vector<16xf32>
        %swap3A_421 = arith.index_cast %add3A_413 : i32 to index
        %swap3A_422 = arith.constant 0 : index
        %swap3A_423 = tpu.vector_load %arg15[%swap3A_421, %swap3A_422] {strides = array<i32>} : memref<128x32xf32, #tpu.memory_space<vmem>>, vector<1x16xf32>,
        %swap3A_424 = vector.shape_cast %swap3A_423 : vector<1x16xf32> to vector<16xf32>
        %swap3A_425 = vector.shape_cast %mul3A_420 : vector<16xf32> to vector<1x16xf32>
        tpu.vector_store %arg15[%swap3A_421, %swap3A_422], %swap3A_425 {strides = array<i32>} : memref<128x32xf32, #tpu.memory_space<vmem>>, vector<1x16xf32>,
        %get3A_426 = arith.index_cast %add3A_413 : i32 to index
        %get3A_427 = arith.constant 16 : index
        %get3A_428 = tpu.vector_load %arg10[%get3A_426, %get3A_427] {strides = array<i32>} : memref<128x32xf32, #tpu.memory_space<vmem>>, vector<1x16xf32>,
        %get3A_429 = vector.shape_cast %get3A_428 : vector<1x16xf32> to vector<16xf32>
        %mul3A_430 = arith.constant 5.65685415 : f32
        %mul3A_431 = vector.broadcast %mul3A_430 : f32 to vector<16xf32>
        %mul3A_432 = arith.mulf %get3A_429, %mul3A_431 : vector<16xf32>
        %swap3A_433 = arith.index_cast %add3A_413 : i32 to index
        %swap3A_434 = arith.constant 16 : index
        %swap3A_435 = tpu.vector_load %arg15[%swap3A_433, %swap3A_434] {strides = array<i32>} : memref<128x32xf32, #tpu.memory_space<vmem>>, vector<1x16xf32>,
        %swap3A_436 = vector.shape_cast %swap3A_435 : vector<1x16xf32> to vector<16xf32>
        %swap3A_437 = vector.shape_cast %mul3A_432 : vector<16xf32> to vector<1x16xf32>
        tpu.vector_store %arg15[%swap3A_433, %swap3A_434], %swap3A_437 {strides = array<i32>} : memref<128x32xf32, #tpu.memory_space<vmem>>, vector<1x16xf32>,
        %scan3A_438 = arith.constant 6 : i32
        %scan3A_439 = arith.addi %scan3A_261, %scan3A_438 : i32
        %mul3A_440 = arith.constant 1 : i32
        %mul3A_441 = arith.muli %scan3A_439, %mul3A_440 : i32
        %add3A_442 = arith.constant 0 : i32
        %add3A_443 = arith.addi %add3A_442, %mul3A_441 : i32
        %get3A_444 = arith.index_cast %add3A_443 : i32 to index
        %get3A_445 = arith.constant 0 : index
        %get3A_446 = tpu.vector_load %arg10[%get3A_444, %get3A_445] {strides = array<i32>} : memref<128x32xf32, #tpu.memory_space<vmem>>, vector<1x16xf32>,
        %get3A_447 = vector.shape_cast %get3A_446 : vector<1x16xf32> to vector<16xf32>
        %mul3A_448 = arith.constant 5.65685415 : f32
        %mul3A_449 = vector.broadcast %mul3A_448 : f32 to vector<16xf32>
        %mul3A_450 = arith.mulf %get3A_447, %mul3A_449 : vector<16xf32>
        %swap3A_451 = arith.index_cast %add3A_443 : i32 to index
        %swap3A_452 = arith.constant 0 : index
        %swap3A_453 = tpu.vector_load %arg15[%swap3A_451, %swap3A_452] {strides = array<i32>} : memref<128x32xf32, #tpu.memory_space<vmem>>, vector<1x16xf32>,
        %swap3A_454 = vector.shape_cast %swap3A_453 : vector<1x16xf32> to vector<16xf32>
        %swap3A_455 = vector.shape_cast %mul3A_450 : vector<16xf32> to vector<1x16xf32>
        tpu.vector_store %arg15[%swap3A_451, %swap3A_452], %swap3A_455 {strides = array<i32>} : memref<128x32xf32, #tpu.memory_space<vmem>>, vector<1x16xf32>,
        %get3A_456 = arith.index_cast %add3A_443 : i32 to index
        %get3A_457 = arith.constant 16 : index
        %get3A_458 = tpu.vector_load %arg10[%get3A_456, %get3A_457] {strides = array<i32>} : memref<128x32xf32, #tpu.memory_space<vmem>>, vector<1x16xf32>,
        %get3A_459 = vector.shape_cast %get3A_458 : vector<1x16xf32> to vector<16xf32>
        %mul3A_460 = arith.constant 5.65685415 : f32
        %mul3A_461 = vector.broadcast %mul3A_460 : f32 to vector<16xf32>
        %mul3A_462 = arith.mulf %get3A_459, %mul3A_461 : vector<16xf32>
        %swap3A_463 = arith.index_cast %add3A_443 : i32 to index
        %swap3A_464 = arith.constant 16 : index
        %swap3A_465 = tpu.vector_load %arg15[%swap3A_463, %swap3A_464] {strides = array<i32>} : memref<128x32xf32, #tpu.memory_space<vmem>>, vector<1x16xf32>,
        %swap3A_466 = vector.shape_cast %swap3A_465 : vector<1x16xf32> to vector<16xf32>
        %swap3A_467 = vector.shape_cast %mul3A_462 : vector<16xf32> to vector<1x16xf32>
        tpu.vector_store %arg15[%swap3A_463, %swap3A_464], %swap3A_467 {strides = array<i32>} : memref<128x32xf32, #tpu.memory_space<vmem>>, vector<1x16xf32>,
        %scan3A_468 = arith.constant 7 : i32
        %scan3A_469 = arith.addi %scan3A_261, %scan3A_468 : i32
        %mul3A_470 = arith.constant 1 : i32
        %mul3A_471 = arith.muli %scan3A_469, %mul3A_470 : i32
        %add3A_472 = arith.constant 0 : i32
        %add3A_473 = arith.addi %add3A_472, %mul3A_471 : i32
        %get3A_474 = arith.index_cast %add3A_473 : i32 to index
        %get3A_475 = arith.constant 0 : index
        %get3A_476 = tpu.vector_load %arg10[%get3A_474, %get3A_475] {strides = array<i32>} : memref<128x32xf32, #tpu.memory_space<vmem>>, vector<1x16xf32>,
        %get3A_477 = vector.shape_cast %get3A_476 : vector<1x16xf32> to vector<16xf32>
        %mul3A_478 = arith.constant 5.65685415 : f32
        %mul3A_479 = vector.broadcast %mul3A_478 : f32 to vector<16xf32>
        %mul3A_480 = arith.mulf %get3A_477, %mul3A_479 : vector<16xf32>
        %swap3A_481 = arith.index_cast %add3A_473 : i32 to index
        %swap3A_482 = arith.constant 0 : index
        %swap3A_483 = tpu.vector_load %arg15[%swap3A_481, %swap3A_482] {strides = array<i32>} : memref<128x32xf32, #tpu.memory_space<vmem>>, vector<1x16xf32>,
        %swap3A_484 = vector.shape_cast %swap3A_483 : vector<1x16xf32> to vector<16xf32>
        %swap3A_485 = vector.shape_cast %mul3A_480 : vector<16xf32> to vector<1x16xf32>
        tpu.vector_store %arg15[%swap3A_481, %swap3A_482], %swap3A_485 {strides = array<i32>} : memref<128x32xf32, #tpu.memory_space<vmem>>, vector<1x16xf32>,
        %get3A_486 = arith.index_cast %add3A_473 : i32 to index
        %get3A_487 = arith.constant 16 : index
        %get3A_488 = tpu.vector_load %arg10[%get3A_486, %get3A_487] {strides = array<i32>} : memref<128x32xf32, #tpu.memory_space<vmem>>, vector<1x16xf32>,
        %get3A_489 = vector.shape_cast %get3A_488 : vector<1x16xf32> to vector<16xf32>
        %mul3A_490 = arith.constant 5.65685415 : f32
        %mul3A_491 = vector.broadcast %mul3A_490 : f32 to vector<16xf32>
        %mul3A_492 = arith.mulf %get3A_489, %mul3A_491 : vector<16xf32>
        %swap3A_493 = arith.index_cast %add3A_473 : i32 to index
        %swap3A_494 = arith.constant 16 : index
        %swap3A_495 = tpu.vector_load %arg15[%swap3A_493, %swap3A_494] {strides = array<i32>} : memref<128x32xf32, #tpu.memory_space<vmem>>, vector<1x16xf32>,
        %swap3A_496 = vector.shape_cast %swap3A_495 : vector<1x16xf32> to vector<16xf32>
        %swap3A_497 = vector.shape_cast %mul3A_492 : vector<16xf32> to vector<1x16xf32>
        tpu.vector_store %arg15[%swap3A_493, %swap3A_494], %swap3A_497 {strides = array<i32>} : memref<128x32xf32, #tpu.memory_space<vmem>>, vector<1x16xf32>,
      }
      %scan3A_245 = arith.constant 128 : i32
      %add3A_246 = arith.constant 1 : i32
      %add3A_247 = arith.addi %add3A_89, %add3A_246 : i32
      %lt3A_248 = arith.constant 10 : i32
      %lt3A_249 = arith.cmpi slt, %add3A_247, %lt3A_248 : i32
      %convert_element_type3A_250 = arith.extui %lt3A_249 : i1 to i32
      %cond3A_251 = arith.constant 0 : i32
      %cond3A_252 = arith.cmpi ne, %convert_element_type3A_250, %cond3A_251 : i32
      scf.if %cond3A_252 {
        %add3A_261 = arith.constant 5 : i32
        %add3A_262 = arith.addi %add3A_229, %add3A_261 : i32
        %dma_start3A_263 = arith.constant 0 : i32
        %dma_start3A_264 = tpu.memref_slice %arg5[%add3A_262, %dma_start3A_263] : memref<50x128xi32, #tpu.memory_space<vmem>> -> memref<1x128xi32, #tpu.memory_space<vmem>>
        %dma_start3A_265 = tpu.memref_squeeze %dma_start3A_264 : memref<1x128xi32, #tpu.memory_space<vmem>> -> memref<128xi32, #tpu.memory_space<vmem>>
        %dma_start3A_266 = arith.constant 0 : i32
        %dma_start3A_267 = arith.constant 0 : i32
        %dma_start3A_268 = tpu.memref_slice %arg3[%dma_start3A_266, %dma_start3A_267] : memref<1000000x32xf32, #tpu.memory_space<hbm>> -> memref<1000000x32xf32, #tpu.memory_space<hbm>>
        tpu.enqueue_indirect_dma source(%dma_start3A_268 : memref<1000000x32xf32, #tpu.memory_space<hbm>>) target(%arg10 : memref<128x32xf32, #tpu.memory_space<vmem>>) offsets(%dma_start3A_265 : memref<128xi32, #tpu.memory_space<vmem>>) semaphore(%arg20 : memref<!tpu.dma_semaphore, #tpu.memory_space<semaphore_mem>>)
      } else {
      }
      %mul3A_253 = arith.constant 128 : i32
      %mul3A_254 = arith.muli %add3A, %mul3A_253 : i32
      %dma_start3A_255 = arith.constant 0 : i32
      %dma_start3A_256 = tpu.memref_slice %arg4[%add3A_229, %mul3A_254, %dma_start3A_255] : memref<50x4096x32xf32, #tpu.memory_space<hbm>> -> memref<1x128x32xf32, #tpu.memory_space<hbm>>
      %dma_start3A_257 = tpu.memref_squeeze %dma_start3A_256 : memref<1x128x32xf32, #tpu.memory_space<hbm>> -> memref<128x32xf32, #tpu.memory_space<hbm>>
      %dma_start3A_258 = arith.constant 0 : i32
      %dma_start3A_259 = tpu.memref_slice %arg4[%add3A_229, %mul3A_254, %dma_start3A_258] : memref<50x4096x32xf32, #tpu.memory_space<hbm>> -> memref<1x128x32xf32, #tpu.memory_space<hbm>>
      %dma_start3A_260 = tpu.memref_squeeze %dma_start3A_259 : memref<1x128x32xf32, #tpu.memory_space<hbm>> -> memref<128x32xf32, #tpu.memory_space<hbm>>
      tpu.enqueue_dma source(%arg15 : memref<128x32xf32, #tpu.memory_space<vmem>>) target(%dma_start3A_260 : memref<128x32xf32, #tpu.memory_space<hbm>>) target_semaphore(%arg25 : memref<!tpu.dma_semaphore, #tpu.memory_space<semaphore_mem>>)
    }
    %scan3A_40 = arith.constant 10 : i32
    %mul3A_41 = arith.constant 128 : i32
    %mul3A_42 = arith.muli %add3A, %mul3A_41 : i32
    %dma_wait3A = arith.constant 0 : i32
    %dma_wait3A_43 = arith.constant 0 : i32
    %dma_wait3A_44 = tpu.memref_slice %arg4[%dma_wait3A, %mul3A_42, %dma_wait3A_43] : memref<50x4096x32xf32, #tpu.memory_space<hbm>> -> memref<1x128x32xf32, #tpu.memory_space<hbm>>
    %dma_wait3A_45 = tpu.memref_squeeze %dma_wait3A_44 : memref<1x128x32xf32, #tpu.memory_space<hbm>> -> memref<128x32xf32, #tpu.memory_space<hbm>>
    %dma_wait3A_46 = arith.constant 0 : i32
    %dma_wait3A_47 = tpu.memref_slice %arg4[%dma_wait3A, %mul3A_42, %dma_wait3A_46] : memref<50x4096x32xf32, #tpu.memory_space<hbm>> -> memref<1x128x32xf32, #tpu.memory_space<hbm>>
    %dma_wait3A_48 = tpu.memref_squeeze %dma_wait3A_47 : memref<1x128x32xf32, #tpu.memory_space<hbm>> -> memref<128x32xf32, #tpu.memory_space<hbm>>
    tpu.wait_dma2 semaphore(%arg21 : memref<!tpu.dma_semaphore, #tpu.memory_space<semaphore_mem>>) src(%arg11 : memref<128x32xf32, #tpu.memory_space<vmem>>) dst(%dma_wait3A_48 : memref<128x32xf32, #tpu.memory_space<hbm>>)
    %mul3A_49 = arith.constant 128 : i32
    %mul3A_50 = arith.muli %add3A, %mul3A_49 : i32
    %dma_wait3A_51 = arith.constant 0 : i32
    %dma_wait3A_52 = arith.constant 0 : i32
    %dma_wait3A_53 = tpu.memref_slice %arg4[%dma_wait3A_51, %mul3A_50, %dma_wait3A_52] : memref<50x4096x32xf32, #tpu.memory_space<hbm>> -> memref<1x128x32xf32, #tpu.memory_space<hbm>>
    %dma_wait3A_54 = tpu.memref_squeeze %dma_wait3A_53 : memref<1x128x32xf32, #tpu.memory_space<hbm>> -> memref<128x32xf32, #tpu.memory_space<hbm>>
    %dma_wait3A_55 = arith.constant 0 : i32
    %dma_wait3A_56 = tpu.memref_slice %arg4[%dma_wait3A_51, %mul3A_50, %dma_wait3A_55] : memref<50x4096x32xf32, #tpu.memory_space<hbm>> -> memref<1x128x32xf32, #tpu.memory_space<hbm>>
    %dma_wait3A_57 = tpu.memref_squeeze %dma_wait3A_56 : memref<1x128x32xf32, #tpu.memory_space<hbm>> -> memref<128x32xf32, #tpu.memory_space<hbm>>
    tpu.wait_dma2 semaphore(%arg22 : memref<!tpu.dma_semaphore, #tpu.memory_space<semaphore_mem>>) src(%arg12 : memref<128x32xf32, #tpu.memory_space<vmem>>) dst(%dma_wait3A_57 : memref<128x32xf32, #tpu.memory_space<hbm>>)
    %mul3A_58 = arith.constant 128 : i32
    %mul3A_59 = arith.muli %add3A, %mul3A_58 : i32
    %dma_wait3A_60 = arith.constant 0 : i32
    %dma_wait3A_61 = arith.constant 0 : i32
    %dma_wait3A_62 = tpu.memref_slice %arg4[%dma_wait3A_60, %mul3A_59, %dma_wait3A_61] : memref<50x4096x32xf32, #tpu.memory_space<hbm>> -> memref<1x128x32xf32, #tpu.memory_space<hbm>>
    %dma_wait3A_63 = tpu.memref_squeeze %dma_wait3A_62 : memref<1x128x32xf32, #tpu.memory_space<hbm>> -> memref<128x32xf32, #tpu.memory_space<hbm>>
    %dma_wait3A_64 = arith.constant 0 : i32
    %dma_wait3A_65 = tpu.memref_slice %arg4[%dma_wait3A_60, %mul3A_59, %dma_wait3A_64] : memref<50x4096x32xf32, #tpu.memory_space<hbm>> -> memref<1x128x32xf32, #tpu.memory_space<hbm>>
    %dma_wait3A_66 = tpu.memref_squeeze %dma_wait3A_65 : memref<1x128x32xf32, #tpu.memory_space<hbm>> -> memref<128x32xf32, #tpu.memory_space<hbm>>
    tpu.wait_dma2 semaphore(%arg23 : memref<!tpu.dma_semaphore, #tpu.memory_space<semaphore_mem>>) src(%arg13 : memref<128x32xf32, #tpu.memory_space<vmem>>) dst(%dma_wait3A_66 : memref<128x32xf32, #tpu.memory_space<hbm>>)
    %mul3A_67 = arith.constant 128 : i32
    %mul3A_68 = arith.muli %add3A, %mul3A_67 : i32
    %dma_wait3A_69 = arith.constant 0 : i32
    %dma_wait3A_70 = arith.constant 0 : i32
    %dma_wait3A_71 = tpu.memref_slice %arg4[%dma_wait3A_69, %mul3A_68, %dma_wait3A_70] : memref<50x4096x32xf32, #tpu.memory_space<hbm>> -> memref<1x128x32xf32, #tpu.memory_space<hbm>>
    %dma_wait3A_72 = tpu.memref_squeeze %dma_wait3A_71 : memref<1x128x32xf32, #tpu.memory_space<hbm>> -> memref<128x32xf32, #tpu.memory_space<hbm>>
    %dma_wait3A_73 = arith.constant 0 : i32
    %dma_wait3A_74 = tpu.memref_slice %arg4[%dma_wait3A_69, %mul3A_68, %dma_wait3A_73] : memref<50x4096x32xf32, #tpu.memory_space<hbm>> -> memref<1x128x32xf32, #tpu.memory_space<hbm>>
    %dma_wait3A_75 = tpu.memref_squeeze %dma_wait3A_74 : memref<1x128x32xf32, #tpu.memory_space<hbm>> -> memref<128x32xf32, #tpu.memory_space<hbm>>
    tpu.wait_dma2 semaphore(%arg24 : memref<!tpu.dma_semaphore, #tpu.memory_space<semaphore_mem>>) src(%arg14 : memref<128x32xf32, #tpu.memory_space<vmem>>) dst(%dma_wait3A_75 : memref<128x32xf32, #tpu.memory_space<hbm>>)
    %mul3A_76 = arith.constant 128 : i32
    %mul3A_77 = arith.muli %add3A, %mul3A_76 : i32
    %dma_wait3A_78 = arith.constant 0 : i32
    %dma_wait3A_79 = arith.constant 0 : i32
    %dma_wait3A_80 = tpu.memref_slice %arg4[%dma_wait3A_78, %mul3A_77, %dma_wait3A_79] : memref<50x4096x32xf32, #tpu.memory_space<hbm>> -> memref<1x128x32xf32, #tpu.memory_space<hbm>>
    %dma_wait3A_81 = tpu.memref_squeeze %dma_wait3A_80 : memref<1x128x32xf32, #tpu.memory_space<hbm>> -> memref<128x32xf32, #tpu.memory_space<hbm>>
    %dma_wait3A_82 = arith.constant 0 : i32
    %dma_wait3A_83 = tpu.memref_slice %arg4[%dma_wait3A_78, %mul3A_77, %dma_wait3A_82] : memref<50x4096x32xf32, #tpu.memory_space<hbm>> -> memref<1x128x32xf32, #tpu.memory_space<hbm>>
    %dma_wait3A_84 = tpu.memref_squeeze %dma_wait3A_83 : memref<1x128x32xf32, #tpu.memory_space<hbm>> -> memref<128x32xf32, #tpu.memory_space<hbm>>
    tpu.wait_dma2 semaphore(%arg25 : memref<!tpu.dma_semaphore, #tpu.memory_space<semaphore_mem>>) src(%arg15 : memref<128x32xf32, #tpu.memory_space<vmem>>) dst(%dma_wait3A_84 : memref<128x32xf32, #tpu.memory_space<hbm>>)
    return
  }
}

</mosaic_0001>

<sc_bundles>
// kernel: kernel.3.cloned.1.call-start
scs
__scs_entry_jumppad:
0x0: {  	(pc) =	sbr.rel $0x88, $3  }
0x1: {  	(tag) =	ssettag $0x0;
	lr =	simm.s32 $0x1  }
0x2: {  	[smem:$0x3F9F] =	sst lr;
	_ =	strace $0xD0000000  }
0x3: {  	_ = 	snop  }
0x4: {  	_ = 	snop  }
0x5: {  	_ = 	snop  }
0x6: {  	_ = 	snop  }
0x7: {  	_ = 	snop  }
__scs_overlays_trampoline_lowered:
0x8: {  	[smem:$0x3FAE] =	sst s0  }
0x9: {  	[smem:$0x3FAF] =	sst s1  }
0xa: {  	[smem:$0x3FB0] =	sst s2  }
0xb: {  	[smem:$0x3FB1] =	sst s3  }
0xc: {  	[smem:$0x3FB2] =	sst s4  }
0xd: {  	[smem:$0x3FB3] =	sst s5  }
0xe: {  	[smem:$0x3FB4] =	sst s6  }
0xf: {  	[smem:$0x3FB5] =	sst s7  }
0x10: {  	[smem:$0x3FB6] =	sst s8  }
0x11: {  	[smem:$0x3FB7] =	sst s9;
	s0 =	simm.s32 @!p0 $0x0  }
0x12: {  	s1 =	sld [smem:$0x3F9D];
	s0 =	simm.s32 @p0 $0x1  }
0x13: {  	[smem:$0x3FB8] =	sst s0;
	s0 =	simm.s32 @!p1 $0x0  }
0x14: {  	s2 =	sld [smem:$0x3F9C];
	s0 =	simm.s32 @p1 $0x1  }
0x15: {  	[smem:$0x3FB9] =	sst s0;
	s0 =	simm.s32 @!p2 $0x0  }
0x16: {  	s3 =	sld [smem:$0x3FDB];
	s0 =	simm.s32 @p2 $0x1  }
0x17: {  	s4 =	simm.s32 $0x1BF5;
	[smem:$0x3FBB] =	sst s0  }
0x18: {  	s0 =	sld [smem:$0x3F9E];
	_ =	swait.ge [sflag:s4], $0x0  }
0x19: {  	s7 =	sld [smem:$0x3F9F]  }
0x1a: {  	s8 =	sadd.s32 $0xFFFFE003, lr  }
0x1b: {  	s9 =	sadd.s32 $0xFFFFFEF7, lr;
	s5 =	simm.s32 $0xFFFFFFFF;
	p2 =	slt.u32 s8, $0xFFFFF086  }
0x1c: {  	p1 =	slt.u32 s9, $0xF7A;
	s5 =	simm.s32 @!p2 $0x0  }
0x1d: {  	s5 =	simm.s32 @p1 $0x1;
	p0 =	seq.s32 s7, s2  }
0x1e: {  	s7 =	smul.u32 @!p0 $0xF7A, s2;
	p2 =	seq.s32 @!p0 s5, $0x0  }
0x1f: {  	s9 =	smul.u32 $0xF7A, s1;
	s8 =	simm.s32 @!p0 $0x1BF5;
	p2 =	por !p2, p0  }
0x20: {  	[sflag:s8] =	ssyncset.s32 @!p0 $0xFFFFF086;
	s6 =	sadd.s32 @!p0 s3, s7;
	s7 =	simm.s32 @!p0 $0x108  }
0x21: {  	s3 =	sadd.s32 s3, s9;
	s6 =	sadd.s32 @!p0 $0x88, s6;
	s7 =	simm.s32 @p2 $0x1082  }
0x22: {  	[simem:s7], [sflag:s8] =	dma.local @!p0 [hbm:s6], $0xF7A  }
0x23: {  	s9 =	sor.u32 $0xD0000000, s2;
	s6 =	simm.s32 $0x108;
	_ =	swait.ge @!p0 [sflag:s8], $0x0  }
0x24: {  	s3 =	sadd.s32 $0x88, s3;
	s6 =	simm.s32 @!p1 $0x1082;
	[sflag:s4] =	ssyncset.s32 $0xFFFFF086  }
0x25: {  	[simem:s6], [sflag:s4] =	dma.local [hbm:s3], $0xF7A  }
0x26: {  	[smem:$0x3F9F] =	sst s1;
	(tag) =	ssettag s2;
	_ =	strace s9  }
0x27: {  	s1 =	sld [smem:$0x3FAF]  }
0x28: {  	s2 =	sld [smem:$0x3FB0]  }
0x29: {  	s4 =	sld [smem:$0x3FB2]  }
0x2a: {  	p0 =	seq.s32 s5, $0x0;
	s5 =	sld [smem:$0x3FB3]  }
0x2b: {  	s6 =	sld [smem:$0x3FB4]  }
0x2c: {  	s7 =	sld [smem:$0x3FB5]  }
0x2d: {  	s3 =	simm.s32 $0x108;
	s8 =	sld [smem:$0x3FB6]  }
0x2e: {  	s3 =	simm.s32 @!p0 $0x1082;
	s9 =	sld [smem:$0x3FB7]  }
0x2f: {  	lr =	sadd.s32 s0, s3;
	s0 =	sld [smem:$0x3FAE]  }
0x30: {  	s3 =	sld [smem:$0x3FB1]  }
0x31: {  	[smem:$0x3FBA] =	sst s10  }
0x32: {  	s10 =	sld [smem:$0x3FB8];
	_ =	sdelay $0x3  }
0x33: {  	p0 =	seq.s32 s10, $0x1;
	s10 =	sld [smem:$0x3FBA];
	_ =	sdelay $0x3  }
0x34: {  	[smem:$0x3FBA] =	sst s10  }
0x35: {  	s10 =	sld [smem:$0x3FB9];
	_ =	sdelay $0x3  }
0x36: {  	p1 =	seq.s32 s10, $0x1;
	s10 =	sld [smem:$0x3FBA];
	_ =	sdelay $0x3  }
0x37: {  	[smem:$0x3FBA] =	sst s10  }
0x38: {  	s10 =	sld [smem:$0x3FBB]  }
0x39: {  	_ = 	snop;
	(pc) =	sbr.ind lr, $3  }
0x3a: {  	_ = 	snop  }
0x3b: {  	_ = 	snop  }
0x3c: {  	p2 =	seq.s32 s10, $0x1;
	s10 =	sld [smem:$0x3FBA]  }
0x3d: {  	_ =	shalt  }
0x3e: {  	_ =	shalt  }
0x3f: {  	_ =	shalt  }
0x40: {  	_ =	shalt  }
0x41: {  	_ =	shalt  }
0x42: {  	_ =	shalt  }
0x43: {  	_ =	shalt  }
0x44: {  	_ =	shalt  }
0x45: {  	_ =	shalt  }
0x46: {  	_ =	shalt  }
0x47: {  	_ =	shalt  }
0x48: {  	_ =	shalt  }
0x49: {  	_ =	shalt  }
0x4a: {  	_ =	shalt  }
0x4b: {  	_ =	shalt  }
0x4c: {  	_ =	shalt  }
0x4d: {  	_ =	shalt  }
0x4e: {  	_ =	shalt  }
0x4f: {  	_ =	shalt  }
0x50: {  	_ =	shalt  }
0x51: {  	_ =	shalt  }
0x52: {  	_ =	shalt  }
0x53: {  	_ =	shalt  }
0x54: {  	_ =	shalt  }
0x55: {  	_ =	shalt  }
0x56: {  	_ =	shalt  }
0x57: {  	_ =	shalt  }
0x58: {  	_ =	shalt  }
0x59: {  	_ =	shalt  }
0x5a: {  	_ =	shalt  }
0x5b: {  	_ =	shalt  }
0x5c: {  	_ =	shalt  }
0x5d: {  	_ =	shalt  }
0x5e: {  	_ =	shalt  }
0x5f: {  	_ =	shalt  }
0x60: {  	_ =	shalt  }
0x61: {  	_ =	shalt  }
0x62: {  	_ =	shalt  }
0x63: {  	_ =	shalt  }
0x64: {  	_ =	shalt  }
0x65: {  	_ =	shalt  }
0x66: {  	_ =	shalt  }
0x67: {  	_ =	shalt  }
0x68: {  	_ =	shalt  }
0x69: {  	_ =	shalt  }
0x6a: {  	_ =	shalt  }
0x6b: {  	_ =	shalt  }
0x6c: {  	_ =	shalt  }
0x6d: {  	_ =	shalt  }
0x6e: {  	_ =	shalt  }
0x6f: {  	_ =	shalt  }
0x70: {  	_ =	shalt  }
0x71: {  	_ =	shalt  }
0x72: {  	_ =	shalt  }
0x73: {  	_ =	shalt  }
0x74: {  	_ =	shalt  }
0x75: {  	_ =	shalt  }
0x76: {  	_ =	shalt  }
0x77: {  	_ =	shalt  }
0x78: {  	_ =	shalt  }
0x79: {  	_ =	shalt  }
0x7a: {  	_ =	shalt  }
0x7b: {  	_ =	shalt  }
0x7c: {  	_ =	shalt  }
0x7d: {  	_ =	shalt  }
0x7e: {  	_ =	shalt  }
0x7f: {  	_ =	shalt  }
0x80: {  	_ =	shalt  }
0x81: {  	_ =	shalt  }
0x82: {  	_ =	shalt  }
0x83: {  	_ =	shalt  }
0x84: {  	_ =	shalt  }
0x85: {  	_ =	shalt  }
0x86: {  	_ =	shalt  }
0x87: {  	_ =	shalt  }
.Lfunc_end0:
.L_simem_size_0:
called_computation_lowered:
.L_overlay_start_0:
0x88: {  	s2 =	sld [smem:$0x3FD9]  }
0x89: {  	s3 =	sld [smem:$0x3FFE];
	_ =	sdelay $0x1  }
0x8a: {  	s1 =	srdreg.scid  }
0x8b: {  	s0 =	sand.u32 $0x1, s1  }
0x8c: {  	s17 =	sshll.u32 s0, $0xA;
	s2 =	sadd.s32 s3, s2  }
0x8d: {  	s2 =	sadd.s32 s2, s17  }
0x8e: {  	[smem:$0x3FC6] =	sst s2  }
0x8f: {  	_ = 	snop  }
0x90: {  	s2 =	sld [smem:$0x3FD0];
	(tm) =	ssettm $0x1  }
0x91: {  	s18 =	sld [smem:$0x3FFB];
	_ =	sdelay $0x3  }
0x92: {  	_ =	strace s18  }
0x93: {  	s3 =	sld [smem:$0x3FFC];
	_ =	sdelay $0x3  }
0x94: {  	_ =	strace s3  }
0x95: {  	s3 =	sld [smem:$0x3FFD];
	_ =	sdelay $0x3  }
0x96: {  	_ =	strace s3  }
0x97: {  	_ =	strace $0x8FFFFFFF  }
0x98: {  	s19 =	sld [smem:$0x3FDB];
	_ =	sdelay $0x1  }
0x99: {  	s4 =	simm.s32 $_scs_section_size  }
0x9a: {  	s5 =	simm.s32 $_size__tile_overlayer_lowered;
	s6 =	simm.s32 $_tile_overlayer_lowered  }
0x9b: {  	s22 =	simm.s32 $0x1BFF;
	s21 =	sshll.u32 s6, $0x1;
	s3 =	sadd.s32 s4, s19  }
0x9c: {  	s7 =	simm.s32 $0x0;
	s20 =	sshll.u32 s5, $0x1;
	s5 =	sadd.s32 s21, s3  }
0x9d: {  	[timem:s7], [sflag:s22] =	dma.local [hbm:s5], s20  }
0x9e: {  	_ =	swait.ge [sflag:s22], s20  }
0x9f: {  	s4 =	ssub.s32 $0x0, s20;
	[sflag:s22] =	ssyncset.done $0x0  }
0xa0: {  	[sflag:s22] =	ssyncadd.s32 s4;
	_ =	sdelay $0x1  }
0xa1: {  	s23 =	simm.s32 $0x1B8B  }
0xa2: {  	_ =	swait.ge [sflag:s23], $0x1  }
0xa3: {  	[sflag:s23] =	ssyncset.done $0x0  }
0xa4: {  	s25 =	simm.s32 $0x1B8E;
	s24 =	sld [smem:$0x3FFE];
	[sflag:s23] =	ssyncadd.s32 $0xFFFFFFFF  }
0xa5: {  	s26 =	simm.s32 $execute0_lowered;
	[smem:$0x3FD2] =	sst s25  }
0xa6: {  	s5 =	sshll.u32 s26, $0x1;
	_ =	strace $0x80000046;
	[dreg:$0x1] =	wrdreg $0xFFFFFFFF  }
0xa7: {  	s28 =	simm.s32 $_size_execute0_lowered;
	s3 =	sadd.s32 s3, s5;
	[dreg:$0x0] =	wrdreg $0x0  }
0xa8: {  	s5 =	sshll.u32 s28, $0x1;
	[dreg:$0x2] =	wrdreg s3  }
0xa9: {  	[dreg:$0x3] =	wrdreg s5  }
0xaa: {  	[dreg:$0x4] =	wrdreg $0xC0  }
0xab: {  	_ =	task [dreg:s7], $0x5FFFF  }
0xac: {  	[dreg:$0x1] =	wrdreg $0xFFFFFFFF  }
0xad: {  	[dreg:$0x0] =	wrdreg $0x60  }
0xae: {  	[dreg:$0x2] =	wrdreg s24  }
0xaf: {  	[dreg:$0x3] =	wrdreg s2  }
0xb0: {  	[dreg:$0x4] =	wrdreg $0x9  }
0xb1: {  	_ =	task.clear_ibuf [dreg:s7], $0x5FFFF;
	_ =	strace $0x90000046  }
0xb2: {  	s29 =	simm.s32 $0x9;
	_ =	strace $0x80000048  }
0xb3: {  	_ =	swait.ge [sflag:s29], $0x1  }
0xb4: {  	[sflag:s29] =	ssyncadd.s32 $0xFFFFFFFF  }
0xb5: {  	_ =	strace $0x90000048  }
0xb6: {  	_ =	sfence  }
0xb7: {  	s30 =	sld [smem:$0x0];
	_ =	sdelay $0x2  }
0xb8: {  	s31 =	sshll.u32 s1, $0xD;
	s1 =	sshrl.u32 s1, $0x2  }
0xb9: {  	s3 =	sand.u32 $0x4000, s31;
	s1 =	sadd.s32 s1, s30  }
0xba: {  	s0 =	sor.u32 s3, s0;
	s1 =	sshll.u32 s1, $0x11  }
0xbb: {  	s0 =	sor.u32 s1, s0  }
0xbc: {  	s0 =	sadd.s32 $0x8F2B, s0  }
0xbd: {  	[sflag:s0] =	ssyncadd.remote.s32 $0x1  }
0xbe: {  	_ =	sfence.sel $0xFFFF  }
0xbf: {  	[dreg:$0x0] =	wrdreg $0xFFFFFFFF;
	(pc) =	sbr.abs _section_cstart, $3  }
0xc0: {  	[dreg:$0x1] =	wrdreg $0xFFFFFFFF  }
0xc1: {  	_ =	task.clear_ibuf [dreg:s7], $0x2FFFF;
	_ =	strace $0x9FFFFFFF  }
0xc2: {  	(tm) =	ssettm $0x7FFFFFFF  }
0xc3: {  	_ =	shalt  }
tec
execute0_lowered:
.L_overlay_start_1:
0x0: {  	(tag) =	ssettag $0x1  }
0x1: {  	s0 =	srdreg.scid;
	s1 =	rddreg [dreg:$0x0]  }
0x2: {  	s3 =	stileid.u32;
	s2 =	rddreg [dreg:$0x1]  }
0x3: {  	s12 =	simm.s32 $0x80;
	s23 =	simm.s32 $0x1;
	s24 =	simm.s32 $0x6900  }
0x4: {  	s25 =	simm.s32 $0x2;
	s28 =	simm.s32 $0x3;
	s29 =	simm.s32 $0x8900  }
0x5: {  	s30 =	simm.s32 $0x4;
	s31 =	simm.s32 $0x9900;
	s13 =	simm.s32 $0x6  }
0x6: {  	s15 =	simm.s32 $0x7;
	s16 =	simm.s32 $0x8;
	s17 =	simm.s32 $0x9  }
0x7: {  	s18 =	simm.s32 $0xA;
	s19 =	simm.s32 $0x0;
	s0 =	sand.u32 $0x1, s0  }
0x8: {  	s4 =	sshll.u32 s3, $0x8;
	s3 =	simm.s32 $0x0;
	s5 =	sshll.u32 s0, $0x7  }
0x9: {  	[smem:$0x7FF] =	sst s3;
	s0 =	ssub.s32 $0x2, s0;
	s5 =	sor.u32 s5, s4  }
0xa: {  	_ =	strace $0x80000047;
	s7 =	sshrl.u32 s0, $0x1;
	s4 =	sshrl.u32 s5, $0x3  }
0xb: {  	s0 =	ssub.s32 s0, s7;
	s5 =	sshll.u32 s5, $0x5;
	s6 =	sadd.s32 s4, s1  }
0xc: {  	s4 =	sadd.s32 $0xF42A00, s1;
	s7 =	sor.u32 $0x20000, s5;
	s8 =	sor.u32 $0x40000, s5  }
0xd: {  	s9 =	sor.u32 $0x60000, s5;
	s10 =	sor.u32 $0x80000, s5;
	s0 =	smax.u32 s0, $0x1  }
0xe: {  	s1 =	simm.s32 $0x5;
	s26 =	sadd.s32 $0x600, s6;
	[dreg:$0x4] =	wrdreg s0  }
0xf: {  	s0 =	simm.s32 $0xA900;
	[dreg:$0x3] =	wrdreg s26;
	s26 =	simm.s32 $0x7900  }
.LBB2_1:
0x10: {  	s6 =	rddreg [dreg:$0x3];
	s11 =	simm.s32 $0x1000  }
0x11: {  	[tilespmem:s3], [sflag:$0xB] =	stream.strided.gather [hbm4b:s6+s12], $0x1900, s11, s12, $0x38;
	[tilespmem:$0xB900] =	vst v63  }
0x12: {  	s11 =	simm.s32 $0xB  }
0x13: {  	_ =	swait.ge [sflag:s11], $0x1900  }
0x14: {  	[sflag:s11] =	ssyncset.done $0x0  }
0x15: {  	s14 =	simm.s32 $0x1900;
	[sflag:s11] =	ssyncadd.s32 $0xFFFFE700  }
0x16: {  	[tilespmem:s14], [sflag:$0x1] =	stream.indirect.gather [hbm4b:s4+s12], $0x20, s3, s12, $0xb8;
	[tilespmem:$0xB900] =	vst v63  }
0x17: {  	s20 =	simm.s32 $0x2900  }
0x18: {  	[tilespmem:s20], [sflag:$0x2] =	stream.indirect.gather [hbm4b:s4+s12], $0x20, s12, s12, $0xb8;
	[tilespmem:$0xB900] =	vst v63  }
0x19: {  	s21 =	simm.s32 $0x100;
	s22 =	simm.s32 $0x3900  }
0x1a: {  	[tilespmem:s22], [sflag:$0x3] =	stream.indirect.gather [hbm4b:s4+s12], $0x20, s21, s12, $0xb8;
	[tilespmem:$0xB900] =	vst v63  }
0x1b: {  	s14 =	simm.s32 $0x180;
	s20 =	simm.s32 $0x4900  }
0x1c: {  	[tilespmem:s20], [sflag:$0x4] =	stream.indirect.gather [hbm4b:s4+s12], $0x20, s14, s12, $0xb8;
	[tilespmem:$0xB900] =	vst v63  }
0x1d: {  	s21 =	simm.s32 $0x200;
	s22 =	simm.s32 $0x5900  }
0x1e: {  	[tilespmem:s22], [sflag:$0x5] =	stream.indirect.gather [hbm4b:s4+s12], $0x20, s21, s12, $0xb8;
	[tilespmem:$0xB900] =	vst v63  }
0x1f: {  	s22 =	simm.s32 $0x0  }
.LBB2_2:
0x20: {  	_ =	swait.ge [sflag:s23], $0x1000  }
0x21: {  	p0 =	seq.s32 s22, $0x0;
	[sflag:s23] =	ssyncset.done $0x0  }
0x22: {  	s6 =	simm.s32 @!p0 $0x6;
	[sflag:s23] =	ssyncadd.s32 $0xFFFFF000  }
0x23: {  	_ =	swait.ge @!p0 [sflag:s6], $0x1000  }
0x24: {  	[sflag:s6] =	ssyncset.done @!p0 $0x0  }
0x25: {  	s11 =	simm.s32 $0x1980;
	[sflag:s6] =	ssyncadd.s32 @!p0 $0xFFFFF000  }
0x26: {  	v0 =	vld [tilespmem:s11+$0xFFFFFF80];
	_ =	sdelay $0x4  }
0x27: {  	v0 =	vmul.f32 $5.656854150e+00, v0  }
0x28: {  	s6 =	simm.s32 $0x6980  }
0x29: {  	[tilespmem:s6+$0xFFFFFF80] =	vst v0  }
0x2a: {  	v0 =	vld [tilespmem:s11+$0xFFFFFF90];
	_ =	sdelay $0x4  }
0x2b: {  	v0 =	vmul.f32 $5.656854150e+00, v0;
	_ =	sdelay $0x1  }
0x2c: {  	[tilespmem:s6+$0xFFFFFF90] =	vst v0  }
0x2d: {  	v0 =	vld [tilespmem:s11+$0xFFFFFFA0];
	_ =	sdelay $0x4  }
0x2e: {  	v0 =	vmul.f32 $5.656854150e+00, v0;
	_ =	sdelay $0x1  }
0x2f: {  	[tilespmem:s6+$0xFFFFFFA0] =	vst v0  }
0x30: {  	v0 =	vld [tilespmem:s11+$0xFFFFFFB0];
	_ =	sdelay $0x4  }
0x31: {  	v0 =	vmul.f32 $5.656854150e+00, v0;
	_ =	sdelay $0x1  }
0x32: {  	[tilespmem:s6+$0xFFFFFFB0] =	vst v0  }
0x33: {  	v0 =	vld [tilespmem:s11+$0xFFFFFFC0];
	_ =	sdelay $0x4  }
0x34: {  	v0 =	vmul.f32 $5.656854150e+00, v0;
	_ =	sdelay $0x1  }
0x35: {  	[tilespmem:s6+$0xFFFFFFC0] =	vst v0  }
0x36: {  	v0 =	vld [tilespmem:s11+$0xFFFFFFD0];
	_ =	sdelay $0x4  }
0x37: {  	v0 =	vmul.f32 $5.656854150e+00, v0;
	_ =	sdelay $0x1  }
0x38: {  	[tilespmem:s6+$0xFFFFFFD0] =	vst v0  }
0x39: {  	v0 =	vld [tilespmem:s11+$0xFFFFFFE0];
	_ =	sdelay $0x4  }
0x3a: {  	v0 =	vmul.f32 $5.656854150e+00, v0;
	_ =	sdelay $0x1  }
0x3b: {  	[tilespmem:s6+$0xFFFFFFE0] =	vst v0  }
0x3c: {  	v0 =	vld [tilespmem:s11+$0xFFFFFFF0];
	_ =	sdelay $0x4  }
0x3d: {  	v0 =	vmul.f32 $5.656854150e+00, v0;
	_ =	sdelay $0x1  }
0x3e: {  	[tilespmem:s6+$0xFFFFFFF0] =	vst v0  }
0x3f: {  	v0 =	vld [tilespmem:s11+$0x0];
	_ =	sdelay $0x4  }
0x40: {  	v0 =	vmul.f32 $5.656854150e+00, v0;
	_ =	sdelay $0x1  }
0x41: {  	[tilespmem:s6+$0x0] =	vst v0  }
0x42: {  	v0 =	vld [tilespmem:s11+$0x10];
	_ =	sdelay $0x4  }
0x43: {  	v0 =	vmul.f32 $5.656854150e+00, v0;
	_ =	sdelay $0x1  }
0x44: {  	[tilespmem:s6+$0x10] =	vst v0  }
0x45: {  	v0 =	vld [tilespmem:s11+$0x20];
	_ =	sdelay $0x4  }
0x46: {  	v0 =	vmul.f32 $5.656854150e+00, v0;
	_ =	sdelay $0x1  }
0x47: {  	[tilespmem:s6+$0x20] =	vst v0  }
0x48: {  	v0 =	vld [tilespmem:s11+$0x30];
	_ =	sdelay $0x4  }
0x49: {  	v0 =	vmul.f32 $5.656854150e+00, v0;
	_ =	sdelay $0x1  }
0x4a: {  	[tilespmem:s6+$0x30] =	vst v0  }
0x4b: {  	v0 =	vld [tilespmem:s11+$0x40];
	_ =	sdelay $0x4  }
0x4c: {  	v0 =	vmul.f32 $5.656854150e+00, v0;
	_ =	sdelay $0x1  }
0x4d: {  	[tilespmem:s6+$0x40] =	vst v0  }
0x4e: {  	v0 =	vld [tilespmem:s11+$0x50];
	_ =	sdelay $0x4  }
0x4f: {  	v0 =	vmul.f32 $5.656854150e+00, v0;
	_ =	sdelay $0x1  }
0x50: {  	[tilespmem:s6+$0x50] =	vst v0  }
0x51: {  	v0 =	vld [tilespmem:s11+$0x60];
	_ =	sdelay $0x4  }
0x52: {  	v0 =	vmul.f32 $5.656854150e+00, v0;
	_ =	sdelay $0x1  }
0x53: {  	[tilespmem:s6+$0x60] =	vst v0  }
0x54: {  	v0 =	vld [tilespmem:s11+$0x70];
	_ =	sdelay $0x4  }
0x55: {  	v0 =	vmul.f32 $5.656854150e+00, v0;
	_ =	sdelay $0x1  }
0x56: {  	s20 =	simm.s32 $0x0;
	s11 =	simm.s32 $0x1A80;
	[tilespmem:s6+$0x70] =	vst v0  }
.LBB2_3:
0x57: {  	v0 =	vld [tilespmem:s11+$0xFFFFFF80];
	s20 =	sadd.s32 $0x8, s20  }
0x58: {  	p1 =	slt.u32 s20, $0x78;
	_ =	sdelay $0x3  }
0x59: {  	v0 =	vmul.f32 $5.656854150e+00, v0  }
0x5a: {  	s6 =	sadd.s32 $0x100, s6  }
0x5b: {  	[tilespmem:s6+$0xFFFFFF80] =	vst v0  }
0x5c: {  	v0 =	vld [tilespmem:s11+$0xFFFFFF90];
	_ =	sdelay $0x4  }
0x5d: {  	v0 =	vmul.f32 $5.656854150e+00, v0;
	_ =	sdelay $0x1  }
0x5e: {  	[tilespmem:s6+$0xFFFFFF90] =	vst v0  }
0x5f: {  	v0 =	vld [tilespmem:s11+$0xFFFFFFA0];
	_ =	sdelay $0x4  }
0x60: {  	v0 =	vmul.f32 $5.656854150e+00, v0;
	_ =	sdelay $0x1  }
0x61: {  	[tilespmem:s6+$0xFFFFFFA0] =	vst v0  }
0x62: {  	v0 =	vld [tilespmem:s11+$0xFFFFFFB0];
	_ =	sdelay $0x4  }
0x63: {  	v0 =	vmul.f32 $5.656854150e+00, v0;
	_ =	sdelay $0x1  }
0x64: {  	[tilespmem:s6+$0xFFFFFFB0] =	vst v0  }
0x65: {  	v0 =	vld [tilespmem:s11+$0xFFFFFFC0];
	_ =	sdelay $0x4  }
0x66: {  	v0 =	vmul.f32 $5.656854150e+00, v0;
	_ =	sdelay $0x1  }
0x67: {  	[tilespmem:s6+$0xFFFFFFC0] =	vst v0  }
0x68: {  	v0 =	vld [tilespmem:s11+$0xFFFFFFD0];
	_ =	sdelay $0x4  }
0x69: {  	v0 =	vmul.f32 $5.656854150e+00, v0;
	_ =	sdelay $0x1  }
0x6a: {  	[tilespmem:s6+$0xFFFFFFD0] =	vst v0  }
0x6b: {  	v0 =	vld [tilespmem:s11+$0xFFFFFFE0];
	_ =	sdelay $0x4  }
0x6c: {  	v0 =	vmul.f32 $5.656854150e+00, v0;
	_ =	sdelay $0x1  }
0x6d: {  	[tilespmem:s6+$0xFFFFFFE0] =	vst v0  }
0x6e: {  	v0 =	vld [tilespmem:s11+$0xFFFFFFF0];
	_ =	sdelay $0x4  }
0x6f: {  	v0 =	vmul.f32 $5.656854150e+00, v0;
	_ =	sdelay $0x1  }
0x70: {  	[tilespmem:s6+$0xFFFFFFF0] =	vst v0  }
0x71: {  	v0 =	vld [tilespmem:s11+$0x0];
	_ =	sdelay $0x4  }
0x72: {  	v0 =	vmul.f32 $5.656854150e+00, v0;
	_ =	sdelay $0x1  }
0x73: {  	[tilespmem:s6+$0x0] =	vst v0  }
0x74: {  	v0 =	vld [tilespmem:s11+$0x10];
	_ =	sdelay $0x4  }
0x75: {  	v0 =	vmul.f32 $5.656854150e+00, v0;
	_ =	sdelay $0x1  }
0x76: {  	[tilespmem:s6+$0x10] =	vst v0  }
0x77: {  	v0 =	vld [tilespmem:s11+$0x20];
	_ =	sdelay $0x4  }
0x78: {  	v0 =	vmul.f32 $5.656854150e+00, v0;
	_ =	sdelay $0x1  }
0x79: {  	[tilespmem:s6+$0x20] =	vst v0  }
0x7a: {  	v0 =	vld [tilespmem:s11+$0x30];
	_ =	sdelay $0x4  }
0x7b: {  	v0 =	vmul.f32 $5.656854150e+00, v0;
	_ =	sdelay $0x1  }
0x7c: {  	[tilespmem:s6+$0x30] =	vst v0  }
0x7d: {  	v0 =	vld [tilespmem:s11+$0x40];
	_ =	sdelay $0x4  }
0x7e: {  	v0 =	vmul.f32 $5.656854150e+00, v0;
	_ =	sdelay $0x1  }
0x7f: {  	[tilespmem:s6+$0x40] =	vst v0  }
0x80: {  	v0 =	vld [tilespmem:s11+$0x50];
	_ =	sdelay $0x4  }
0x81: {  	v0 =	vmul.f32 $5.656854150e+00, v0;
	_ =	sdelay $0x1  }
0x82: {  	[tilespmem:s6+$0x50] =	vst v0  }
0x83: {  	v0 =	vld [tilespmem:s11+$0x60];
	_ =	sdelay $0x4  }
0x84: {  	v0 =	vmul.f32 $5.656854150e+00, v0;
	_ =	sdelay $0x1  }
0x85: {  	[tilespmem:s6+$0x60] =	vst v0  }
0x86: {  	v0 =	vld [tilespmem:s11+$0x70];
	_ =	sdelay $0x2  }
.Ltmp0:
0x87: {  	(pc) =	sbr.rel @p1 .LBB2_3-.Ltmp0, $3  }
0x88: {  	_ = 	snop  }
0x89: {  	v0 =	vmul.f32 $5.656854150e+00, v0;
	_ =	sdelay $0x1  }
0x8a: {  	s11 =	sadd.s32 $0x100, s11;
	[tilespmem:s6+$0x70] =	vst v0  }
0x8b: {  	p1 =	seq.s32 s22, $0x9  }
0x8c: {  	s6 =	smul.u32 @!p1 $0xA00, s22;
	_ =	sdelay $0x1  }
0x8d: {  	s20 =	smul.u32 $0xA0000, s22;
	s21 =	sshra.s32 @!p1 s6, $0x2  }
0x8e: {  	s11 =	simm.s32 @!p1 $0x80;
	s14 =	simm.s32 @!p1 $0x1900;
	s6 =	sadd.s32 @!p1 $0x280, s21  }
0x8f: {  	[tilespmem:s14], [sflag:$0x1] =	stream.indirect.gather @!p1 [hbm4b:s4+s11], $0x20, s6, s11, $0xb8;
	[tilespmem:$0xB900] =	vst v63  }
0x90: {  	s11 =	sor.u32 s5, s20  }
0x91: {  	s6 =	sshrl.u32 s11, $0x3  }
0x92: {  	s6 =	sadd.s32 s2, s6  }
0x93: {  	[hbm4b:s6+s3] =	stream.linear.scatter [tilespmem:s24], [sflag:$0x6], $0x1000, $0x38;
	[tilespmem:$0xB900] =	vst v63  }
0x94: {  	_ =	swait.ge [sflag:s25], $0x1000  }
0x95: {  	[sflag:s25] =	ssyncset.done $0x0  }
0x96: {  	s6 =	simm.s32 @!p0 $0x7;
	[sflag:s25] =	ssyncadd.s32 $0xFFFFF000  }
0x97: {  	_ =	swait.ge @!p0 [sflag:s6], $0x1000  }
0x98: {  	[sflag:s6] =	ssyncset.done @!p0 $0x0  }
0x99: {  	s14 =	simm.s32 $0x2980;
	[sflag:s6] =	ssyncadd.s32 @!p0 $0xFFFFF000  }
0x9a: {  	v0 =	vld [tilespmem:s14+$0xFFFFFF80];
	_ =	sdelay $0x4  }
0x9b: {  	v0 =	vmul.f32 $5.656854150e+00, v0  }
0x9c: {  	s6 =	simm.s32 $0x7980  }
0x9d: {  	[tilespmem:s6+$0xFFFFFF80] =	vst v0  }
0x9e: {  	v0 =	vld [tilespmem:s14+$0xFFFFFF90];
	_ =	sdelay $0x4  }
0x9f: {  	v0 =	vmul.f32 $5.656854150e+00, v0;
	_ =	sdelay $0x1  }
0xa0: {  	[tilespmem:s6+$0xFFFFFF90] =	vst v0  }
0xa1: {  	v0 =	vld [tilespmem:s14+$0xFFFFFFA0];
	_ =	sdelay $0x4  }
0xa2: {  	v0 =	vmul.f32 $5.656854150e+00, v0;
	_ =	sdelay $0x1  }
0xa3: {  	[tilespmem:s6+$0xFFFFFFA0] =	vst v0  }
0xa4: {  	v0 =	vld [tilespmem:s14+$0xFFFFFFB0];
	_ =	sdelay $0x4  }
0xa5: {  	v0 =	vmul.f32 $5.656854150e+00, v0;
	_ =	sdelay $0x1  }
0xa6: {  	[tilespmem:s6+$0xFFFFFFB0] =	vst v0  }
0xa7: {  	v0 =	vld [tilespmem:s14+$0xFFFFFFC0];
	_ =	sdelay $0x4  }
0xa8: {  	v0 =	vmul.f32 $5.656854150e+00, v0;
	_ =	sdelay $0x1  }
0xa9: {  	[tilespmem:s6+$0xFFFFFFC0] =	vst v0  }
0xaa: {  	v0 =	vld [tilespmem:s14+$0xFFFFFFD0];
	_ =	sdelay $0x4  }
0xab: {  	v0 =	vmul.f32 $5.656854150e+00, v0;
	_ =	sdelay $0x1  }
0xac: {  	[tilespmem:s6+$0xFFFFFFD0] =	vst v0  }
0xad: {  	v0 =	vld [tilespmem:s14+$0xFFFFFFE0];
	_ =	sdelay $0x4  }
0xae: {  	v0 =	vmul.f32 $5.656854150e+00, v0;
	_ =	sdelay $0x1  }
0xaf: {  	[tilespmem:s6+$0xFFFFFFE0] =	vst v0  }
0xb0: {  	v0 =	vld [tilespmem:s14+$0xFFFFFFF0];
	_ =	sdelay $0x4  }
0xb1: {  	v0 =	vmul.f32 $5.656854150e+00, v0;
	_ =	sdelay $0x1  }
0xb2: {  	[tilespmem:s6+$0xFFFFFFF0] =	vst v0  }
0xb3: {  	v0 =	vld [tilespmem:s14+$0x0];
	_ =	sdelay $0x4  }
0xb4: {  	v0 =	vmul.f32 $5.656854150e+00, v0;
	_ =	sdelay $0x1  }
0xb5: {  	[tilespmem:s6+$0x0] =	vst v0  }
0xb6: {  	v0 =	vld [tilespmem:s14+$0x10];
	_ =	sdelay $0x4  }
0xb7: {  	v0 =	vmul.f32 $5.656854150e+00, v0;
	_ =	sdelay $0x1  }
0xb8: {  	[tilespmem:s6+$0x10] =	vst v0  }
0xb9: {  	v0 =	vld [tilespmem:s14+$0x20];
	_ =	sdelay $0x4  }
0xba: {  	v0 =	vmul.f32 $5.656854150e+00, v0;
	_ =	sdelay $0x1  }
0xbb: {  	[tilespmem:s6+$0x20] =	vst v0  }
0xbc: {  	v0 =	vld [tilespmem:s14+$0x30];
	_ =	sdelay $0x4  }
0xbd: {  	v0 =	vmul.f32 $5.656854150e+00, v0;
	_ =	sdelay $0x1  }
0xbe: {  	[tilespmem:s6+$0x30] =	vst v0  }
0xbf: {  	v0 =	vld [tilespmem:s14+$0x40];
	_ =	sdelay $0x4  }
0xc0: {  	v0 =	vmul.f32 $5.656854150e+00, v0;
	_ =	sdelay $0x1  }
0xc1: {  	[tilespmem:s6+$0x40] =	vst v0  }
0xc2: {  	v0 =	vld [tilespmem:s14+$0x50];
	_ =	sdelay $0x4  }
0xc3: {  	v0 =	vmul.f32 $5.656854150e+00, v0;
	_ =	sdelay $0x1  }
0xc4: {  	[tilespmem:s6+$0x50] =	vst v0  }
0xc5: {  	v0 =	vld [tilespmem:s14+$0x60];
	_ =	sdelay $0x4  }
0xc6: {  	v0 =	vmul.f32 $5.656854150e+00, v0;
	_ =	sdelay $0x1  }
0xc7: {  	[tilespmem:s6+$0x60] =	vst v0  }
0xc8: {  	v0 =	vld [tilespmem:s14+$0x70];
	_ =	sdelay $0x4  }
0xc9: {  	v0 =	vmul.f32 $5.656854150e+00, v0;
	_ =	sdelay $0x1  }
0xca: {  	s22 =	sadd.s32 $0x1, s22;
	s11 =	simm.s32 $0x0;
	s14 =	simm.s32 $0x2A80;
	[tilespmem:s6+$0x70] =	vst v0  }
.LBB2_5:
0xcb: {  	v0 =	vld [tilespmem:s14+$0xFFFFFF80];
	s11 =	sadd.s32 $0x8, s11  }
0xcc: {  	p2 =	slt.u32 s11, $0x78;
	_ =	sdelay $0x3  }
0xcd: {  	v0 =	vmul.f32 $5.656854150e+00, v0  }
0xce: {  	s6 =	sadd.s32 $0x100, s6  }
0xcf: {  	[tilespmem:s6+$0xFFFFFF80] =	vst v0  }
0xd0: {  	v0 =	vld [tilespmem:s14+$0xFFFFFF90];
	_ =	sdelay $0x4  }
0xd1: {  	v0 =	vmul.f32 $5.656854150e+00, v0;
	_ =	sdelay $0x1  }
0xd2: {  	[tilespmem:s6+$0xFFFFFF90] =	vst v0  }
0xd3: {  	v0 =	vld [tilespmem:s14+$0xFFFFFFA0];
	_ =	sdelay $0x4  }
0xd4: {  	v0 =	vmul.f32 $5.656854150e+00, v0;
	_ =	sdelay $0x1  }
0xd5: {  	[tilespmem:s6+$0xFFFFFFA0] =	vst v0  }
0xd6: {  	v0 =	vld [tilespmem:s14+$0xFFFFFFB0];
	_ =	sdelay $0x4  }
0xd7: {  	v0 =	vmul.f32 $5.656854150e+00, v0;
	_ =	sdelay $0x1  }
0xd8: {  	[tilespmem:s6+$0xFFFFFFB0] =	vst v0  }
0xd9: {  	v0 =	vld [tilespmem:s14+$0xFFFFFFC0];
	_ =	sdelay $0x4  }
0xda: {  	v0 =	vmul.f32 $5.656854150e+00, v0;
	_ =	sdelay $0x1  }
0xdb: {  	[tilespmem:s6+$0xFFFFFFC0] =	vst v0  }
0xdc: {  	v0 =	vld [tilespmem:s14+$0xFFFFFFD0];
	_ =	sdelay $0x4  }
0xdd: {  	v0 =	vmul.f32 $5.656854150e+00, v0;
	_ =	sdelay $0x1  }
0xde: {  	[tilespmem:s6+$0xFFFFFFD0] =	vst v0  }
0xdf: {  	v0 =	vld [tilespmem:s14+$0xFFFFFFE0];
	_ =	sdelay $0x4  }
0xe0: {  	v0 =	vmul.f32 $5.656854150e+00, v0;
	_ =	sdelay $0x1  }
0xe1: {  	[tilespmem:s6+$0xFFFFFFE0] =	vst v0  }
0xe2: {  	v0 =	vld [tilespmem:s14+$0xFFFFFFF0];
	_ =	sdelay $0x4  }
0xe3: {  	v0 =	vmul.f32 $5.656854150e+00, v0;
	_ =	sdelay $0x1  }
0xe4: {  	[tilespmem:s6+$0xFFFFFFF0] =	vst v0  }
0xe5: {  	v0 =	vld [tilespmem:s14+$0x0];
	_ =	sdelay $0x4  }
0xe6: {  	v0 =	vmul.f32 $5.656854150e+00, v0;
	_ =	sdelay $0x1  }
0xe7: {  	[tilespmem:s6+$0x0] =	vst v0  }
0xe8: {  	v0 =	vld [tilespmem:s14+$0x10];
	_ =	sdelay $0x4  }
0xe9: {  	v0 =	vmul.f32 $5.656854150e+00, v0;
	_ =	sdelay $0x1  }
0xea: {  	[tilespmem:s6+$0x10] =	vst v0  }
0xeb: {  	v0 =	vld [tilespmem:s14+$0x20];
	_ =	sdelay $0x4  }
0xec: {  	v0 =	vmul.f32 $5.656854150e+00, v0;
	_ =	sdelay $0x1  }
0xed: {  	[tilespmem:s6+$0x20] =	vst v0  }
0xee: {  	v0 =	vld [tilespmem:s14+$0x30];
	_ =	sdelay $0x4  }
0xef: {  	v0 =	vmul.f32 $5.656854150e+00, v0;
	_ =	sdelay $0x1  }
0xf0: {  	[tilespmem:s6+$0x30] =	vst v0  }
0xf1: {  	v0 =	vld [tilespmem:s14+$0x40];
	_ =	sdelay $0x4  }
0xf2: {  	v0 =	vmul.f32 $5.656854150e+00, v0;
	_ =	sdelay $0x1  }
0xf3: {  	[tilespmem:s6+$0x40] =	vst v0  }
0xf4: {  	v0 =	vld [tilespmem:s14+$0x50];
	_ =	sdelay $0x4  }
0xf5: {  	v0 =	vmul.f32 $5.656854150e+00, v0;
	_ =	sdelay $0x1  }
0xf6: {  	[tilespmem:s6+$0x50] =	vst v0  }
0xf7: {  	v0 =	vld [tilespmem:s14+$0x60];
	_ =	sdelay $0x4  }
0xf8: {  	v0 =	vmul.f32 $5.656854150e+00, v0;
	_ =	sdelay $0x1  }
0xf9: {  	[tilespmem:s6+$0x60] =	vst v0  }
0xfa: {  	v0 =	vld [tilespmem:s14+$0x70];
	_ =	sdelay $0x2  }
.Ltmp1:
0xfb: {  	(pc) =	sbr.rel @p2 .LBB2_5-.Ltmp1, $3  }
0xfc: {  	_ = 	snop  }
0xfd: {  	v0 =	vmul.f32 $5.656854150e+00, v0;
	_ =	sdelay $0x1  }
0xfe: {  	s14 =	sadd.s32 $0x100, s14;
	[tilespmem:s6+$0x70] =	vst v0  }
0xff: {  	s6 =	sadd.s32 @!p1 $0x300, s21;
	s11 =	simm.s32 @!p1 $0x80;
	s14 =	simm.s32 @!p1 $0x2900  }
0x100: {  	[tilespmem:s14], [sflag:$0x2] =	stream.indirect.gather @!p1 [hbm4b:s4+s11], $0x20, s6, s11, $0xb8;
	[tilespmem:$0xB900] =	vst v63  }
0x101: {  	s11 =	sadd.s32 s7, s20  }
0x102: {  	s6 =	sshrl.u32 s11, $0x3  }
0x103: {  	s6 =	sadd.s32 s2, s6  }
0x104: {  	[hbm4b:s6+s3] =	stream.linear.scatter [tilespmem:s26], [sflag:$0x7], $0x1000, $0x38;
	[tilespmem:$0xB900] =	vst v63  }
0x105: {  	_ =	swait.ge [sflag:s28], $0x1000  }
0x106: {  	[sflag:s28] =	ssyncset.done $0x0  }
0x107: {  	s6 =	simm.s32 @!p0 $0x8;
	[sflag:s28] =	ssyncadd.s32 $0xFFFFF000  }
0x108: {  	_ =	swait.ge @!p0 [sflag:s6], $0x1000  }
0x109: {  	[sflag:s6] =	ssyncset.done @!p0 $0x0  }
0x10a: {  	s14 =	simm.s32 $0x3980;
	[sflag:s6] =	ssyncadd.s32 @!p0 $0xFFFFF000  }
0x10b: {  	v0 =	vld [tilespmem:s14+$0xFFFFFF80];
	_ =	sdelay $0x4  }
0x10c: {  	v0 =	vmul.f32 $5.656854150e+00, v0  }
0x10d: {  	s6 =	simm.s32 $0x8980  }
0x10e: {  	[tilespmem:s6+$0xFFFFFF80] =	vst v0  }
0x10f: {  	v0 =	vld [tilespmem:s14+$0xFFFFFF90];
	_ =	sdelay $0x4  }
0x110: {  	v0 =	vmul.f32 $5.656854150e+00, v0;
	_ =	sdelay $0x1  }
0x111: {  	[tilespmem:s6+$0xFFFFFF90] =	vst v0  }
0x112: {  	v0 =	vld [tilespmem:s14+$0xFFFFFFA0];
	_ =	sdelay $0x4  }
0x113: {  	v0 =	vmul.f32 $5.656854150e+00, v0;
	_ =	sdelay $0x1  }
0x114: {  	[tilespmem:s6+$0xFFFFFFA0] =	vst v0  }
0x115: {  	v0 =	vld [tilespmem:s14+$0xFFFFFFB0];
	_ =	sdelay $0x4  }
0x116: {  	v0 =	vmul.f32 $5.656854150e+00, v0;
	_ =	sdelay $0x1  }
0x117: {  	[tilespmem:s6+$0xFFFFFFB0] =	vst v0  }
0x118: {  	v0 =	vld [tilespmem:s14+$0xFFFFFFC0];
	_ =	sdelay $0x4  }
0x119: {  	v0 =	vmul.f32 $5.656854150e+00, v0;
	_ =	sdelay $0x1  }
0x11a: {  	[tilespmem:s6+$0xFFFFFFC0] =	vst v0  }
0x11b: {  	v0 =	vld [tilespmem:s14+$0xFFFFFFD0];
	_ =	sdelay $0x4  }
0x11c: {  	v0 =	vmul.f32 $5.656854150e+00, v0;
	_ =	sdelay $0x1  }
0x11d: {  	[tilespmem:s6+$0xFFFFFFD0] =	vst v0  }
0x11e: {  	v0 =	vld [tilespmem:s14+$0xFFFFFFE0];
	_ =	sdelay $0x4  }
0x11f: {  	v0 =	vmul.f32 $5.656854150e+00, v0;
	_ =	sdelay $0x1  }
0x120: {  	[tilespmem:s6+$0xFFFFFFE0] =	vst v0  }
0x121: {  	v0 =	vld [tilespmem:s14+$0xFFFFFFF0];
	_ =	sdelay $0x4  }
0x122: {  	v0 =	vmul.f32 $5.656854150e+00, v0;
	_ =	sdelay $0x1  }
0x123: {  	[tilespmem:s6+$0xFFFFFFF0] =	vst v0  }
0x124: {  	v0 =	vld [tilespmem:s14+$0x0];
	_ =	sdelay $0x4  }
0x125: {  	v0 =	vmul.f32 $5.656854150e+00, v0;
	_ =	sdelay $0x1  }
0x126: {  	[tilespmem:s6+$0x0] =	vst v0  }
0x127: {  	v0 =	vld [tilespmem:s14+$0x10];
	_ =	sdelay $0x4  }
0x128: {  	v0 =	vmul.f32 $5.656854150e+00, v0;
	_ =	sdelay $0x1  }
0x129: {  	[tilespmem:s6+$0x10] =	vst v0  }
0x12a: {  	v0 =	vld [tilespmem:s14+$0x20];
	_ =	sdelay $0x4  }
0x12b: {  	v0 =	vmul.f32 $5.656854150e+00, v0;
	_ =	sdelay $0x1  }
0x12c: {  	[tilespmem:s6+$0x20] =	vst v0  }
0x12d: {  	v0 =	vld [tilespmem:s14+$0x30];
	_ =	sdelay $0x4  }
0x12e: {  	v0 =	vmul.f32 $5.656854150e+00, v0;
	_ =	sdelay $0x1  }
0x12f: {  	[tilespmem:s6+$0x30] =	vst v0  }
0x130: {  	v0 =	vld [tilespmem:s14+$0x40];
	_ =	sdelay $0x4  }
0x131: {  	v0 =	vmul.f32 $5.656854150e+00, v0;
	_ =	sdelay $0x1  }
0x132: {  	[tilespmem:s6+$0x40] =	vst v0  }
0x133: {  	v0 =	vld [tilespmem:s14+$0x50];
	_ =	sdelay $0x4  }
0x134: {  	v0 =	vmul.f32 $5.656854150e+00, v0;
	_ =	sdelay $0x1  }
0x135: {  	[tilespmem:s6+$0x50] =	vst v0  }
0x136: {  	v0 =	vld [tilespmem:s14+$0x60];
	_ =	sdelay $0x4  }
0x137: {  	v0 =	vmul.f32 $5.656854150e+00, v0;
	_ =	sdelay $0x1  }
0x138: {  	[tilespmem:s6+$0x60] =	vst v0  }
0x139: {  	v0 =	vld [tilespmem:s14+$0x70];
	_ =	sdelay $0x4  }
0x13a: {  	v0 =	vmul.f32 $5.656854150e+00, v0;
	_ =	sdelay $0x1  }
0x13b: {  	s11 =	simm.s32 $0x0;
	s14 =	simm.s32 $0x3A80;
	[tilespmem:s6+$0x70] =	vst v0  }
.LBB2_7:
0x13c: {  	v0 =	vld [tilespmem:s14+$0xFFFFFF80];
	s11 =	sadd.s32 $0x8, s11  }
0x13d: {  	p2 =	slt.u32 s11, $0x78;
	_ =	sdelay $0x3  }
0x13e: {  	v0 =	vmul.f32 $5.656854150e+00, v0  }
0x13f: {  	s6 =	sadd.s32 $0x100, s6  }
0x140: {  	[tilespmem:s6+$0xFFFFFF80] =	vst v0  }
0x141: {  	v0 =	vld [tilespmem:s14+$0xFFFFFF90];
	_ =	sdelay $0x4  }
0x142: {  	v0 =	vmul.f32 $5.656854150e+00, v0;
	_ =	sdelay $0x1  }
0x143: {  	[tilespmem:s6+$0xFFFFFF90] =	vst v0  }
0x144: {  	v0 =	vld [tilespmem:s14+$0xFFFFFFA0];
	_ =	sdelay $0x4  }
0x145: {  	v0 =	vmul.f32 $5.656854150e+00, v0;
	_ =	sdelay $0x1  }
0x146: {  	[tilespmem:s6+$0xFFFFFFA0] =	vst v0  }
0x147: {  	v0 =	vld [tilespmem:s14+$0xFFFFFFB0];
	_ =	sdelay $0x4  }
0x148: {  	v0 =	vmul.f32 $5.656854150e+00, v0;
	_ =	sdelay $0x1  }
0x149: {  	[tilespmem:s6+$0xFFFFFFB0] =	vst v0  }
0x14a: {  	v0 =	vld [tilespmem:s14+$0xFFFFFFC0];
	_ =	sdelay $0x4  }
0x14b: {  	v0 =	vmul.f32 $5.656854150e+00, v0;
	_ =	sdelay $0x1  }
0x14c: {  	[tilespmem:s6+$0xFFFFFFC0] =	vst v0  }
0x14d: {  	v0 =	vld [tilespmem:s14+$0xFFFFFFD0];
	_ =	sdelay $0x4  }
0x14e: {  	v0 =	vmul.f32 $5.656854150e+00, v0;
	_ =	sdelay $0x1  }
0x14f: {  	[tilespmem:s6+$0xFFFFFFD0] =	vst v0  }
0x150: {  	v0 =	vld [tilespmem:s14+$0xFFFFFFE0];
	_ =	sdelay $0x4  }
0x151: {  	v0 =	vmul.f32 $5.656854150e+00, v0;
	_ =	sdelay $0x1  }
0x152: {  	[tilespmem:s6+$0xFFFFFFE0] =	vst v0  }
0x153: {  	v0 =	vld [tilespmem:s14+$0xFFFFFFF0];
	_ =	sdelay $0x4  }
0x154: {  	v0 =	vmul.f32 $5.656854150e+00, v0;
	_ =	sdelay $0x1  }
0x155: {  	[tilespmem:s6+$0xFFFFFFF0] =	vst v0  }
0x156: {  	v0 =	vld [tilespmem:s14+$0x0];
	_ =	sdelay $0x4  }
0x157: {  	v0 =	vmul.f32 $5.656854150e+00, v0;
	_ =	sdelay $0x1  }
0x158: {  	[tilespmem:s6+$0x0] =	vst v0  }
0x159: {  	v0 =	vld [tilespmem:s14+$0x10];
	_ =	sdelay $0x4  }
0x15a: {  	v0 =	vmul.f32 $5.656854150e+00, v0;
	_ =	sdelay $0x1  }
0x15b: {  	[tilespmem:s6+$0x10] =	vst v0  }
0x15c: {  	v0 =	vld [tilespmem:s14+$0x20];
	_ =	sdelay $0x4  }
0x15d: {  	v0 =	vmul.f32 $5.656854150e+00, v0;
	_ =	sdelay $0x1  }
0x15e: {  	[tilespmem:s6+$0x20] =	vst v0  }
0x15f: {  	v0 =	vld [tilespmem:s14+$0x30];
	_ =	sdelay $0x4  }
0x160: {  	v0 =	vmul.f32 $5.656854150e+00, v0;
	_ =	sdelay $0x1  }
0x161: {  	[tilespmem:s6+$0x30] =	vst v0  }
0x162: {  	v0 =	vld [tilespmem:s14+$0x40];
	_ =	sdelay $0x4  }
0x163: {  	v0 =	vmul.f32 $5.656854150e+00, v0;
	_ =	sdelay $0x1  }
0x164: {  	[tilespmem:s6+$0x40] =	vst v0  }
0x165: {  	v0 =	vld [tilespmem:s14+$0x50];
	_ =	sdelay $0x4  }
0x166: {  	v0 =	vmul.f32 $5.656854150e+00, v0;
	_ =	sdelay $0x1  }
0x167: {  	[tilespmem:s6+$0x50] =	vst v0  }
0x168: {  	v0 =	vld [tilespmem:s14+$0x60];
	_ =	sdelay $0x4  }
0x169: {  	v0 =	vmul.f32 $5.656854150e+00, v0;
	_ =	sdelay $0x1  }
0x16a: {  	[tilespmem:s6+$0x60] =	vst v0  }
0x16b: {  	v0 =	vld [tilespmem:s14+$0x70];
	_ =	sdelay $0x2  }
.Ltmp2:
0x16c: {  	(pc) =	sbr.rel @p2 .LBB2_7-.Ltmp2, $3  }
0x16d: {  	_ = 	snop  }
0x16e: {  	v0 =	vmul.f32 $5.656854150e+00, v0;
	_ =	sdelay $0x1  }
0x16f: {  	s14 =	sadd.s32 $0x100, s14;
	[tilespmem:s6+$0x70] =	vst v0  }
0x170: {  	s6 =	sadd.s32 @!p1 $0x380, s21;
	s11 =	simm.s32 @!p1 $0x80;
	s14 =	simm.s32 @!p1 $0x3900  }
0x171: {  	[tilespmem:s14], [sflag:$0x3] =	stream.indirect.gather @!p1 [hbm4b:s4+s11], $0x20, s6, s11, $0xb8;
	[tilespmem:$0xB900] =	vst v63  }
0x172: {  	s11 =	sadd.s32 s8, s20  }
0x173: {  	s6 =	sshrl.u32 s11, $0x3  }
0x174: {  	s6 =	sadd.s32 s2, s6  }
0x175: {  	[hbm4b:s6+s3] =	stream.linear.scatter [tilespmem:s29], [sflag:$0x8], $0x1000, $0x38;
	[tilespmem:$0xB900] =	vst v63  }
0x176: {  	_ =	swait.ge [sflag:s30], $0x1000  }
0x177: {  	[sflag:s30] =	ssyncset.done $0x0  }
0x178: {  	s6 =	simm.s32 @!p0 $0x9;
	[sflag:s30] =	ssyncadd.s32 $0xFFFFF000  }
0x179: {  	_ =	swait.ge @!p0 [sflag:s6], $0x1000  }
0x17a: {  	[sflag:s6] =	ssyncset.done @!p0 $0x0  }
0x17b: {  	s14 =	simm.s32 $0x4980;
	[sflag:s6] =	ssyncadd.s32 @!p0 $0xFFFFF000  }
0x17c: {  	v0 =	vld [tilespmem:s14+$0xFFFFFF80];
	_ =	sdelay $0x4  }
0x17d: {  	v0 =	vmul.f32 $5.656854150e+00, v0  }
0x17e: {  	s6 =	simm.s32 $0x9980  }
0x17f: {  	[tilespmem:s6+$0xFFFFFF80] =	vst v0  }
0x180: {  	v0 =	vld [tilespmem:s14+$0xFFFFFF90];
	_ =	sdelay $0x4  }
0x181: {  	v0 =	vmul.f32 $5.656854150e+00, v0;
	_ =	sdelay $0x1  }
0x182: {  	[tilespmem:s6+$0xFFFFFF90] =	vst v0  }
0x183: {  	v0 =	vld [tilespmem:s14+$0xFFFFFFA0];
	_ =	sdelay $0x4  }
0x184: {  	v0 =	vmul.f32 $5.656854150e+00, v0;
	_ =	sdelay $0x1  }
0x185: {  	[tilespmem:s6+$0xFFFFFFA0] =	vst v0  }
0x186: {  	v0 =	vld [tilespmem:s14+$0xFFFFFFB0];
	_ =	sdelay $0x4  }
0x187: {  	v0 =	vmul.f32 $5.656854150e+00, v0;
	_ =	sdelay $0x1  }
0x188: {  	[tilespmem:s6+$0xFFFFFFB0] =	vst v0  }
0x189: {  	v0 =	vld [tilespmem:s14+$0xFFFFFFC0];
	_ =	sdelay $0x4  }
0x18a: {  	v0 =	vmul.f32 $5.656854150e+00, v0;
	_ =	sdelay $0x1  }
0x18b: {  	[tilespmem:s6+$0xFFFFFFC0] =	vst v0  }
0x18c: {  	v0 =	vld [tilespmem:s14+$0xFFFFFFD0];
	_ =	sdelay $0x4  }
0x18d: {  	v0 =	vmul.f32 $5.656854150e+00, v0;
	_ =	sdelay $0x1  }
0x18e: {  	[tilespmem:s6+$0xFFFFFFD0] =	vst v0  }
0x18f: {  	v0 =	vld [tilespmem:s14+$0xFFFFFFE0];
	_ =	sdelay $0x4  }
0x190: {  	v0 =	vmul.f32 $5.656854150e+00, v0;
	_ =	sdelay $0x1  }
0x191: {  	[tilespmem:s6+$0xFFFFFFE0] =	vst v0  }
0x192: {  	v0 =	vld [tilespmem:s14+$0xFFFFFFF0];
	_ =	sdelay $0x4  }
0x193: {  	v0 =	vmul.f32 $5.656854150e+00, v0;
	_ =	sdelay $0x1  }
0x194: {  	[tilespmem:s6+$0xFFFFFFF0] =	vst v0  }
0x195: {  	v0 =	vld [tilespmem:s14+$0x0];
	_ =	sdelay $0x4  }
0x196: {  	v0 =	vmul.f32 $5.656854150e+00, v0;
	_ =	sdelay $0x1  }
0x197: {  	[tilespmem:s6+$0x0] =	vst v0  }
0x198: {  	v0 =	vld [tilespmem:s14+$0x10];
	_ =	sdelay $0x4  }
0x199: {  	v0 =	vmul.f32 $5.656854150e+00, v0;
	_ =	sdelay $0x1  }
0x19a: {  	[tilespmem:s6+$0x10] =	vst v0  }
0x19b: {  	v0 =	vld [tilespmem:s14+$0x20];
	_ =	sdelay $0x4  }
0x19c: {  	v0 =	vmul.f32 $5.656854150e+00, v0;
	_ =	sdelay $0x1  }
0x19d: {  	[tilespmem:s6+$0x20] =	vst v0  }
0x19e: {  	v0 =	vld [tilespmem:s14+$0x30];
	_ =	sdelay $0x4  }
0x19f: {  	v0 =	vmul.f32 $5.656854150e+00, v0;
	_ =	sdelay $0x1  }
0x1a0: {  	[tilespmem:s6+$0x30] =	vst v0  }
0x1a1: {  	v0 =	vld [tilespmem:s14+$0x40];
	_ =	sdelay $0x4  }
0x1a2: {  	v0 =	vmul.f32 $5.656854150e+00, v0;
	_ =	sdelay $0x1  }
0x1a3: {  	[tilespmem:s6+$0x40] =	vst v0  }
0x1a4: {  	v0 =	vld [tilespmem:s14+$0x50];
	_ =	sdelay $0x4  }
0x1a5: {  	v0 =	vmul.f32 $5.656854150e+00, v0;
	_ =	sdelay $0x1  }
0x1a6: {  	[tilespmem:s6+$0x50] =	vst v0  }
0x1a7: {  	v0 =	vld [tilespmem:s14+$0x60];
	_ =	sdelay $0x4  }
0x1a8: {  	v0 =	vmul.f32 $5.656854150e+00, v0;
	_ =	sdelay $0x1  }
0x1a9: {  	[tilespmem:s6+$0x60] =	vst v0  }
0x1aa: {  	v0 =	vld [tilespmem:s14+$0x70];
	_ =	sdelay $0x4  }
0x1ab: {  	v0 =	vmul.f32 $5.656854150e+00, v0;
	_ =	sdelay $0x1  }
0x1ac: {  	s11 =	simm.s32 $0x0;
	s14 =	simm.s32 $0x4A80;
	[tilespmem:s6+$0x70] =	vst v0  }
.LBB2_9:
0x1ad: {  	v0 =	vld [tilespmem:s14+$0xFFFFFF80];
	s11 =	sadd.s32 $0x8, s11  }
0x1ae: {  	p2 =	slt.u32 s11, $0x78;
	_ =	sdelay $0x3  }
0x1af: {  	v0 =	vmul.f32 $5.656854150e+00, v0  }
0x1b0: {  	s6 =	sadd.s32 $0x100, s6  }
0x1b1: {  	[tilespmem:s6+$0xFFFFFF80] =	vst v0  }
0x1b2: {  	v0 =	vld [tilespmem:s14+$0xFFFFFF90];
	_ =	sdelay $0x4  }
0x1b3: {  	v0 =	vmul.f32 $5.656854150e+00, v0;
	_ =	sdelay $0x1  }
0x1b4: {  	[tilespmem:s6+$0xFFFFFF90] =	vst v0  }
0x1b5: {  	v0 =	vld [tilespmem:s14+$0xFFFFFFA0];
	_ =	sdelay $0x4  }
0x1b6: {  	v0 =	vmul.f32 $5.656854150e+00, v0;
	_ =	sdelay $0x1  }
0x1b7: {  	[tilespmem:s6+$0xFFFFFFA0] =	vst v0  }
0x1b8: {  	v0 =	vld [tilespmem:s14+$0xFFFFFFB0];
	_ =	sdelay $0x4  }
0x1b9: {  	v0 =	vmul.f32 $5.656854150e+00, v0;
	_ =	sdelay $0x1  }
0x1ba: {  	[tilespmem:s6+$0xFFFFFFB0] =	vst v0  }
0x1bb: {  	v0 =	vld [tilespmem:s14+$0xFFFFFFC0];
	_ =	sdelay $0x4  }
0x1bc: {  	v0 =	vmul.f32 $5.656854150e+00, v0;
	_ =	sdelay $0x1  }
0x1bd: {  	[tilespmem:s6+$0xFFFFFFC0] =	vst v0  }
0x1be: {  	v0 =	vld [tilespmem:s14+$0xFFFFFFD0];
	_ =	sdelay $0x4  }
0x1bf: {  	v0 =	vmul.f32 $5.656854150e+00, v0;
	_ =	sdelay $0x1  }
0x1c0: {  	[tilespmem:s6+$0xFFFFFFD0] =	vst v0  }
0x1c1: {  	v0 =	vld [tilespmem:s14+$0xFFFFFFE0];
	_ =	sdelay $0x4  }
0x1c2: {  	v0 =	vmul.f32 $5.656854150e+00, v0;
	_ =	sdelay $0x1  }
0x1c3: {  	[tilespmem:s6+$0xFFFFFFE0] =	vst v0  }
0x1c4: {  	v0 =	vld [tilespmem:s14+$0xFFFFFFF0];
	_ =	sdelay $0x4  }
0x1c5: {  	v0 =	vmul.f32 $5.656854150e+00, v0;
	_ =	sdelay $0x1  }
0x1c6: {  	[tilespmem:s6+$0xFFFFFFF0] =	vst v0  }
0x1c7: {  	v0 =	vld [tilespmem:s14+$0x0];
	_ =	sdelay $0x4  }
0x1c8: {  	v0 =	vmul.f32 $5.656854150e+00, v0;
	_ =	sdelay $0x1  }
0x1c9: {  	[tilespmem:s6+$0x0] =	vst v0  }
0x1ca: {  	v0 =	vld [tilespmem:s14+$0x10];
	_ =	sdelay $0x4  }
0x1cb: {  	v0 =	vmul.f32 $5.656854150e+00, v0;
	_ =	sdelay $0x1  }
0x1cc: {  	[tilespmem:s6+$0x10] =	vst v0  }
0x1cd: {  	v0 =	vld [tilespmem:s14+$0x20];
	_ =	sdelay $0x4  }
0x1ce: {  	v0 =	vmul.f32 $5.656854150e+00, v0;
	_ =	sdelay $0x1  }
0x1cf: {  	[tilespmem:s6+$0x20] =	vst v0  }
0x1d0: {  	v0 =	vld [tilespmem:s14+$0x30];
	_ =	sdelay $0x4  }
0x1d1: {  	v0 =	vmul.f32 $5.656854150e+00, v0;
	_ =	sdelay $0x1  }
0x1d2: {  	[tilespmem:s6+$0x30] =	vst v0  }
0x1d3: {  	v0 =	vld [tilespmem:s14+$0x40];
	_ =	sdelay $0x4  }
0x1d4: {  	v0 =	vmul.f32 $5.656854150e+00, v0;
	_ =	sdelay $0x1  }
0x1d5: {  	[tilespmem:s6+$0x40] =	vst v0  }
0x1d6: {  	v0 =	vld [tilespmem:s14+$0x50];
	_ =	sdelay $0x4  }
0x1d7: {  	v0 =	vmul.f32 $5.656854150e+00, v0;
	_ =	sdelay $0x1  }
0x1d8: {  	[tilespmem:s6+$0x50] =	vst v0  }
0x1d9: {  	v0 =	vld [tilespmem:s14+$0x60];
	_ =	sdelay $0x4  }
0x1da: {  	v0 =	vmul.f32 $5.656854150e+00, v0;
	_ =	sdelay $0x1  }
0x1db: {  	[tilespmem:s6+$0x60] =	vst v0  }
0x1dc: {  	v0 =	vld [tilespmem:s14+$0x70];
	_ =	sdelay $0x2  }
.Ltmp3:
0x1dd: {  	(pc) =	sbr.rel @p2 .LBB2_9-.Ltmp3, $3  }
0x1de: {  	_ = 	snop  }
0x1df: {  	v0 =	vmul.f32 $5.656854150e+00, v0;
	_ =	sdelay $0x1  }
0x1e0: {  	s14 =	sadd.s32 $0x100, s14;
	[tilespmem:s6+$0x70] =	vst v0  }
0x1e1: {  	s6 =	sadd.s32 @!p1 $0x400, s21;
	s11 =	simm.s32 @!p1 $0x80;
	s14 =	simm.s32 @!p1 $0x4900  }
0x1e2: {  	[tilespmem:s14], [sflag:$0x4] =	stream.indirect.gather @!p1 [hbm4b:s4+s11], $0x20, s6, s11, $0xb8;
	[tilespmem:$0xB900] =	vst v63  }
0x1e3: {  	s11 =	sadd.s32 s9, s20  }
0x1e4: {  	s6 =	sshrl.u32 s11, $0x3  }
0x1e5: {  	s6 =	sadd.s32 s2, s6  }
0x1e6: {  	[hbm4b:s6+s3] =	stream.linear.scatter [tilespmem:s31], [sflag:$0x9], $0x1000, $0x38;
	[tilespmem:$0xB900] =	vst v63  }
0x1e7: {  	_ =	swait.ge [sflag:s1], $0x1000  }
0x1e8: {  	[sflag:s1] =	ssyncset.done $0x0  }
0x1e9: {  	s6 =	simm.s32 @!p0 $0xA;
	[sflag:s1] =	ssyncadd.s32 $0xFFFFF000  }
0x1ea: {  	_ =	swait.ge @!p0 [sflag:s6], $0x1000  }
0x1eb: {  	[sflag:s6] =	ssyncset.done @!p0 $0x0  }
0x1ec: {  	s14 =	simm.s32 $0x5980;
	[sflag:s6] =	ssyncadd.s32 @!p0 $0xFFFFF000  }
0x1ed: {  	v0 =	vld [tilespmem:s14+$0xFFFFFF80];
	_ =	sdelay $0x4  }
0x1ee: {  	v0 =	vmul.f32 $5.656854150e+00, v0  }
0x1ef: {  	s6 =	simm.s32 $0xA980  }
0x1f0: {  	[tilespmem:s6+$0xFFFFFF80] =	vst v0  }
0x1f1: {  	v0 =	vld [tilespmem:s14+$0xFFFFFF90];
	_ =	sdelay $0x4  }
0x1f2: {  	v0 =	vmul.f32 $5.656854150e+00, v0;
	_ =	sdelay $0x1  }
0x1f3: {  	[tilespmem:s6+$0xFFFFFF90] =	vst v0  }
0x1f4: {  	v0 =	vld [tilespmem:s14+$0xFFFFFFA0];
	_ =	sdelay $0x4  }
0x1f5: {  	v0 =	vmul.f32 $5.656854150e+00, v0;
	_ =	sdelay $0x1  }
0x1f6: {  	[tilespmem:s6+$0xFFFFFFA0] =	vst v0  }
0x1f7: {  	v0 =	vld [tilespmem:s14+$0xFFFFFFB0];
	_ =	sdelay $0x4  }
0x1f8: {  	v0 =	vmul.f32 $5.656854150e+00, v0;
	_ =	sdelay $0x1  }
0x1f9: {  	[tilespmem:s6+$0xFFFFFFB0] =	vst v0  }
0x1fa: {  	v0 =	vld [tilespmem:s14+$0xFFFFFFC0];
	_ =	sdelay $0x4  }
0x1fb: {  	v0 =	vmul.f32 $5.656854150e+00, v0;
	_ =	sdelay $0x1  }
0x1fc: {  	[tilespmem:s6+$0xFFFFFFC0] =	vst v0  }
0x1fd: {  	v0 =	vld [tilespmem:s14+$0xFFFFFFD0];
	_ =	sdelay $0x4  }
0x1fe: {  	v0 =	vmul.f32 $5.656854150e+00, v0;
	_ =	sdelay $0x1  }
0x1ff: {  	[tilespmem:s6+$0xFFFFFFD0] =	vst v0  }
0x200: {  	v0 =	vld [tilespmem:s14+$0xFFFFFFE0];
	_ =	sdelay $0x4  }
0x201: {  	v0 =	vmul.f32 $5.656854150e+00, v0;
	_ =	sdelay $0x1  }
0x202: {  	[tilespmem:s6+$0xFFFFFFE0] =	vst v0  }
0x203: {  	v0 =	vld [tilespmem:s14+$0xFFFFFFF0];
	_ =	sdelay $0x4  }
0x204: {  	v0 =	vmul.f32 $5.656854150e+00, v0;
	_ =	sdelay $0x1  }
0x205: {  	[tilespmem:s6+$0xFFFFFFF0] =	vst v0  }
0x206: {  	v0 =	vld [tilespmem:s14+$0x0];
	_ =	sdelay $0x4  }
0x207: {  	v0 =	vmul.f32 $5.656854150e+00, v0;
	_ =	sdelay $0x1  }
0x208: {  	[tilespmem:s6+$0x0] =	vst v0  }
0x209: {  	v0 =	vld [tilespmem:s14+$0x10];
	_ =	sdelay $0x4  }
0x20a: {  	v0 =	vmul.f32 $5.656854150e+00, v0;
	_ =	sdelay $0x1  }
0x20b: {  	[tilespmem:s6+$0x10] =	vst v0  }
0x20c: {  	v0 =	vld [tilespmem:s14+$0x20];
	_ =	sdelay $0x4  }
0x20d: {  	v0 =	vmul.f32 $5.656854150e+00, v0;
	_ =	sdelay $0x1  }
0x20e: {  	[tilespmem:s6+$0x20] =	vst v0  }
0x20f: {  	v0 =	vld [tilespmem:s14+$0x30];
	_ =	sdelay $0x4  }
0x210: {  	v0 =	vmul.f32 $5.656854150e+00, v0;
	_ =	sdelay $0x1  }
0x211: {  	[tilespmem:s6+$0x30] =	vst v0  }
0x212: {  	v0 =	vld [tilespmem:s14+$0x40];
	_ =	sdelay $0x4  }
0x213: {  	v0 =	vmul.f32 $5.656854150e+00, v0;
	_ =	sdelay $0x1  }
0x214: {  	[tilespmem:s6+$0x40] =	vst v0  }
0x215: {  	v0 =	vld [tilespmem:s14+$0x50];
	_ =	sdelay $0x4  }
0x216: {  	v0 =	vmul.f32 $5.656854150e+00, v0;
	_ =	sdelay $0x1  }
0x217: {  	[tilespmem:s6+$0x50] =	vst v0  }
0x218: {  	v0 =	vld [tilespmem:s14+$0x60];
	_ =	sdelay $0x4  }
0x219: {  	v0 =	vmul.f32 $5.656854150e+00, v0;
	_ =	sdelay $0x1  }
0x21a: {  	[tilespmem:s6+$0x60] =	vst v0  }
0x21b: {  	v0 =	vld [tilespmem:s14+$0x70];
	_ =	sdelay $0x4  }
0x21c: {  	v0 =	vmul.f32 $5.656854150e+00, v0;
	_ =	sdelay $0x1  }
0x21d: {  	s11 =	simm.s32 $0x0;
	s14 =	simm.s32 $0x5A80;
	[tilespmem:s6+$0x70] =	vst v0  }
.LBB2_11:
0x21e: {  	v0 =	vld [tilespmem:s14+$0xFFFFFF80];
	s11 =	sadd.s32 $0x8, s11  }
0x21f: {  	p0 =	slt.u32 s11, $0x78;
	_ =	sdelay $0x3  }
0x220: {  	v0 =	vmul.f32 $5.656854150e+00, v0  }
0x221: {  	s6 =	sadd.s32 $0x100, s6  }
0x222: {  	[tilespmem:s6+$0xFFFFFF80] =	vst v0  }
0x223: {  	v0 =	vld [tilespmem:s14+$0xFFFFFF90];
	_ =	sdelay $0x4  }
0x224: {  	v0 =	vmul.f32 $5.656854150e+00, v0;
	_ =	sdelay $0x1  }
0x225: {  	[tilespmem:s6+$0xFFFFFF90] =	vst v0  }
0x226: {  	v0 =	vld [tilespmem:s14+$0xFFFFFFA0];
	_ =	sdelay $0x4  }
0x227: {  	v0 =	vmul.f32 $5.656854150e+00, v0;
	_ =	sdelay $0x1  }
0x228: {  	[tilespmem:s6+$0xFFFFFFA0] =	vst v0  }
0x229: {  	v0 =	vld [tilespmem:s14+$0xFFFFFFB0];
	_ =	sdelay $0x4  }
0x22a: {  	v0 =	vmul.f32 $5.656854150e+00, v0;
	_ =	sdelay $0x1  }
0x22b: {  	[tilespmem:s6+$0xFFFFFFB0] =	vst v0  }
0x22c: {  	v0 =	vld [tilespmem:s14+$0xFFFFFFC0];
	_ =	sdelay $0x4  }
0x22d: {  	v0 =	vmul.f32 $5.656854150e+00, v0;
	_ =	sdelay $0x1  }
0x22e: {  	[tilespmem:s6+$0xFFFFFFC0] =	vst v0  }
0x22f: {  	v0 =	vld [tilespmem:s14+$0xFFFFFFD0];
	_ =	sdelay $0x4  }
0x230: {  	v0 =	vmul.f32 $5.656854150e+00, v0;
	_ =	sdelay $0x1  }
0x231: {  	[tilespmem:s6+$0xFFFFFFD0] =	vst v0  }
0x232: {  	v0 =	vld [tilespmem:s14+$0xFFFFFFE0];
	_ =	sdelay $0x4  }
0x233: {  	v0 =	vmul.f32 $5.656854150e+00, v0;
	_ =	sdelay $0x1  }
0x234: {  	[tilespmem:s6+$0xFFFFFFE0] =	vst v0  }
0x235: {  	v0 =	vld [tilespmem:s14+$0xFFFFFFF0];
	_ =	sdelay $0x4  }
0x236: {  	v0 =	vmul.f32 $5.656854150e+00, v0;
	_ =	sdelay $0x1  }
0x237: {  	[tilespmem:s6+$0xFFFFFFF0] =	vst v0  }
0x238: {  	v0 =	vld [tilespmem:s14+$0x0];
	_ =	sdelay $0x4  }
0x239: {  	v0 =	vmul.f32 $5.656854150e+00, v0;
	_ =	sdelay $0x1  }
0x23a: {  	[tilespmem:s6+$0x0] =	vst v0  }
0x23b: {  	v0 =	vld [tilespmem:s14+$0x10];
	_ =	sdelay $0x4  }
0x23c: {  	v0 =	vmul.f32 $5.656854150e+00, v0;
	_ =	sdelay $0x1  }
0x23d: {  	[tilespmem:s6+$0x10] =	vst v0  }
0x23e: {  	v0 =	vld [tilespmem:s14+$0x20];
	_ =	sdelay $0x4  }
0x23f: {  	v0 =	vmul.f32 $5.656854150e+00, v0;
	_ =	sdelay $0x1  }
0x240: {  	[tilespmem:s6+$0x20] =	vst v0  }
0x241: {  	v0 =	vld [tilespmem:s14+$0x30];
	_ =	sdelay $0x4  }
0x242: {  	v0 =	vmul.f32 $5.656854150e+00, v0;
	_ =	sdelay $0x1  }
0x243: {  	[tilespmem:s6+$0x30] =	vst v0  }
0x244: {  	v0 =	vld [tilespmem:s14+$0x40];
	_ =	sdelay $0x4  }
0x245: {  	v0 =	vmul.f32 $5.656854150e+00, v0;
	_ =	sdelay $0x1  }
0x246: {  	[tilespmem:s6+$0x40] =	vst v0  }
0x247: {  	v0 =	vld [tilespmem:s14+$0x50];
	_ =	sdelay $0x4  }
0x248: {  	v0 =	vmul.f32 $5.656854150e+00, v0;
	_ =	sdelay $0x1  }
0x249: {  	[tilespmem:s6+$0x50] =	vst v0  }
0x24a: {  	v0 =	vld [tilespmem:s14+$0x60];
	_ =	sdelay $0x4  }
0x24b: {  	v0 =	vmul.f32 $5.656854150e+00, v0;
	_ =	sdelay $0x1  }
0x24c: {  	[tilespmem:s6+$0x60] =	vst v0  }
0x24d: {  	v0 =	vld [tilespmem:s14+$0x70];
	_ =	sdelay $0x2  }
.Ltmp4:
0x24e: {  	(pc) =	sbr.rel @p0 .LBB2_11-.Ltmp4, $3  }
0x24f: {  	_ = 	snop  }
0x250: {  	v0 =	vmul.f32 $5.656854150e+00, v0;
	_ =	sdelay $0x1  }
0x251: {  	s14 =	sadd.s32 $0x100, s14;
	[tilespmem:s6+$0x70] =	vst v0  }
0x252: {  	s6 =	sadd.s32 @!p1 $0x480, s21;
	s11 =	simm.s32 @!p1 $0x80;
	p0 =	sne.s32 s22, $0xA  }
.Ltmp5:
0x253: {  	s14 =	simm.s32 @!p1 $0x5900;
	s21 =	sadd.s32 s10, s20;
	(pc) =	sbr.rel @p0 .LBB2_2-.Ltmp5, $4  }
0x254: {  	[tilespmem:s14], [sflag:$0x5] =	stream.indirect.gather @!p1 [hbm4b:s4+s11], $0x20, s6, s11, $0xb8;
	[tilespmem:$0xB900] =	vst v63  }
0x255: {  	s6 =	sshrl.u32 s21, $0x3  }
0x256: {  	s6 =	sadd.s32 s2, s6  }
0x257: {  	[hbm4b:s6+s3] =	stream.linear.scatter [tilespmem:s0], [sflag:$0xA], $0x1000, $0x38;
	[tilespmem:$0xB900] =	vst v63  }
0x258: {  	_ =	swait.ge [sflag:s13], $0x1000  }
0x259: {  	[sflag:s13] =	ssyncset.done $0x0  }
0x25a: {  	[sflag:s13] =	ssyncadd.s32 $0xFFFFF000  }
0x25b: {  	_ =	swait.ge [sflag:s15], $0x1000  }
0x25c: {  	[sflag:s15] =	ssyncset.done $0x0  }
0x25d: {  	[sflag:s15] =	ssyncadd.s32 $0xFFFFF000  }
0x25e: {  	_ =	swait.ge [sflag:s16], $0x1000  }
0x25f: {  	[sflag:s16] =	ssyncset.done $0x0  }
0x260: {  	[sflag:s16] =	ssyncadd.s32 $0xFFFFF000  }
0x261: {  	_ =	swait.ge [sflag:s17], $0x1000  }
0x262: {  	[sflag:s17] =	ssyncset.done $0x0  }
0x263: {  	[sflag:s17] =	ssyncadd.s32 $0xFFFFF000  }
0x264: {  	_ =	swait.ge [sflag:s18], $0x1000  }
0x265: {  	s19 =	sadd.s32 $0x1, s19;
	s6 =	rddreg [dreg:$0x4]  }
0x266: {  	p0 =	sne.s32 s19, s6  }
.Ltmp6:
0x267: {  	_ = 	snop;
	(pc) =	sbr.rel @p0 .LBB2_1-.Ltmp6, $3  }
0x268: {  	_ =	sdelay $0x1  }
0x269: {  	[sflag:s18] =	ssyncset.done $0x0  }
0x26a: {  	[sflag:s18] =	ssyncadd.s32 $0xFFFFF000  }
0x26b: {  	_ =	sfence.sel $0x180000  }
0x26c: {  	[bflag:$0x0] =	sbarrier.arrive $0xFFFF  }
0x26d: {  	_ =	strace $0x90000047  }
0x26e: {  	s0 =	stileid.u32;
	[bflag:$0x2] =	sbarrier.arrive $0xFFFF  }
0x26f: {  	p0 =	sne.s32 s0, $0x0;
	s0 =	rddreg [dreg:$0x2]  }
0x270: {  	s0 =	sadd.s32 @!p0 $0x100000, s0  }
0x271: {  	[sflag:s0] =	ssyncadd.tile.s32 @!p0 $0x1;
	_ =	shalt  }
.Lfunc_end2:
_tile_overlayer_lowered:
.L_overlay_start_2:
0x272: {  	(tag) =	ssettag $0x2  }
0x273: {  	s0 =	rddreg [dreg:$0x0];
	s2 =	stileid.u32  }
0x274: {  	s1 =	rddreg [dreg:$0x1];
	p0 =	sne.s32 s2, $0x0  }
0x275: {  	s3 =	rddreg [dreg:$0x2];
	[bflag:$0x3] =	sbarrier.arrive $0xFFFF;
	s2 =	simm.s32 @!p0 $0x1C0B  }
0x276: {  	[timem:s3], [sflag:s2] =	dma.local @!p0 [hbm:s0], s1  }
0x277: {  	s0 =	simm.s32 @!p0 $0xB  }
0x278: {  	_ =	swait.ge @!p0 [sflag:s0], s1  }
0x279: {  	s1 =	ssub.s32 @!p0 $0x0, s1;
	[sflag:s0] =	ssyncset.done @!p0 $0x0  }
0x27a: {  	[sflag:s0] =	ssyncadd.s32 @!p0 s1  }
0x27b: {  	[bflag:$0x3] =	sbarrier.arrive $0xFFFF  }
0x27c: {  	_ =	shalt  }

</sc_bundles>
